<compile_context>
chip_gen: v7x
topology: tpu7x:2x2x1
jax: 0.10.2.dev20260603
libtpu: 0.0.44.dev20260713+nightly
codegen_flags: <defaults>
</compile_context>

<pallas_src>
import jax
import jax.numpy as jnp
from jax import lax
from jax.experimental import pallas as pl
from jax.experimental.pallas import tpu as pltpu
from jax.experimental.pallas import tpu_sc as plsc

V = 1000000
D = 64
H = 128
B = 4096
L = 50

NC, NS = 2, 16
CB = 4
NB_W = B // NS
NITER = NB_W // CB


BM3 = 1000
BMP = BM3 * 8


def _proj_body(t_ref, w_ref, b_ref, p_ref):
    t = t_ref[...].reshape(BMP, D)
    p_ref[...] = lax.dot_general(
        t.astype(jnp.bfloat16), w_ref[...].astype(jnp.bfloat16),
        dimension_numbers=(((1,), (1,)), ((), ())),
        preferred_element_type=jnp.float32,
    ) + b_ref[...]


_project = pl.pallas_call(
    _proj_body,
    grid=(V // BMP,),
    in_specs=[
        pl.BlockSpec((BM3, 8, D), lambda i: (i, 0, 0)),
        pl.BlockSpec((H, D), lambda i: (0, 0)),
        pl.BlockSpec((1, H), lambda i: (0, 0)),
    ],
    out_specs=pl.BlockSpec((BMP, H), lambda i: (i, 0)),
    out_shape=jax.ShapeDtypeStruct((V, H), jnp.float32),
)


def _gather_body(idxp1, idxp2, p_hbm, g1, g2, idx_v, v3, sem_g, sem_w):
    c = lax.axis_index("c")
    s = lax.axis_index("s")
    b_base = s * NB_W

    def run(idxp, g_hbm):
        pltpu.sync_copy(idxp.at[pl.ds(b_base, NB_W)], idx_v)

        def it(j, carry):
            par = lax.rem(j, 3)
            bb = b_base + j * CB

            @pl.when(j >= 3)
            def _():
                pltpu.make_async_copy(
                    v3.at[par], g_hbm.at[pl.ds(bb - 3 * CB, CB)], sem_w.at[par]
                ).wait()

            cps = [
                pltpu.async_copy(
                    p_hbm.at[idx_v.at[j * CB + k, pl.ds(0, L)]],
                    v3.at[par, k],
                    sem_g,
                )
                for k in range(CB)
            ]
            for cp in cps:
                cp.wait()
            pltpu.async_copy(v3.at[par], g_hbm.at[pl.ds(bb, CB)], sem_w.at[par])
            return carry

        lax.fori_loop(0, NITER, it, 0)

        for j in (NITER - 3, NITER - 2, NITER - 1):
            par = j % 3
            pltpu.make_async_copy(
                v3.at[par], g_hbm.at[pl.ds(b_base + j * CB, CB)], sem_w.at[par]
            ).wait()

    @pl.when(c == 0)
    def _():
        run(idxp1, g1)

    @pl.when(c == 1)
    def _():
        run(idxp2, g2)


_gather = pl.kernel(
    _gather_body,
    out_type=[
        jax.ShapeDtypeStruct((B, L, H), jnp.float32),
        jax.ShapeDtypeStruct((B, L, H), jnp.float32),
    ],
    mesh=plsc.VectorSubcoreMesh(core_axis_name="c", subcore_axis_name="s"),
    scratch_types=[
        pltpu.VMEM((NB_W, 128), jnp.int32),
        pltpu.VMEM((3, CB, L, H), jnp.float32),
        pltpu.SemaphoreType.DMA,
        pltpu.SemaphoreType.DMA((3,)),
    ],
    compiler_params=pltpu.CompilerParams(use_tc_tiling_on_sc=True),
)


def kernel(sent1, sent2, emb_table, W, b):
    idxp1 = jnp.pad(sent1.astype(jnp.int32), ((0, 0), (0, 128 - L)))
    idxp2 = jnp.pad(sent2.astype(jnp.int32), ((0, 0), (0, 128 - L)))
    p = _project(emb_table.reshape(V // 8, 8, D), W, b.reshape(1, H))
    o1, o2 = _gather(idxp1, idxp2, p)
    return (o1, o2)

# --- scband reference (transcript-rebuilt; emitter-appended) ---
"""Pipeline reference for scband-encoder-41686952575523 (READ-ONLY COPY).

The authoritative reference and input builder live on the scoring server;
editing this copy changes nothing except your own understanding.
"""

import jax, jax.numpy as jnp
import numpy as np

V = 1000000
D = 64
H = 128
B = 4096
L = 50

def setup_inputs(seed: int = 0) -> dict:
    key = jax.random.key(seed)
    k1, k2, k3, k4, k5 = jax.random.split(key, 5)
    sent1 = jax.random.randint(k1, (B, L), 0, V, dtype=jnp.int64 if jax.config.read('jax_enable_x64') else jnp.int32)
    sent2 = jax.random.randint(k2, (B, L), 0, V, dtype=jnp.int64 if jax.config.read('jax_enable_x64') else jnp.int32)
    emb_table = jax.random.normal(k3, (V, D), dtype=jnp.float32)
    # nn.Linear(embedding_size, hidden_size): weight [H, D] ~ N(0, param_init), bias ~ U(-0.01, 0.01)
    W = jax.random.normal(k4, (H, D), dtype=jnp.float32) * 0.01
    b = jax.random.uniform(k5, (H,), minval=-0.01, maxval=0.01, dtype=jnp.float32)
    return {"sent1": sent1, "sent2": sent2, "emb_table": emb_table, "W": W, "b": b}

def reference(sent1, sent2, emb_table, W, b):
    # Embedding lookup (gather)
    s1 = jnp.take(emb_table, sent1, axis=0)  # [B, L, D]
    s2 = jnp.take(emb_table, sent2, axis=0)  # [B, L, D]
    batch_size = sent1.shape[0]
    # Linear projection on embedded tokens, reshaped to [B, -1, H]
    # (original torch code erroneously applies Linear to raw int indices; the
    #  intended -- and only executable -- semantics apply it to the embeddings)
    s1_input = (s1 @ W.T + b).reshape(batch_size, -1, H)
    s2_input = (s2 @ W.T + b).reshape(batch_size, -1, H)
    return (s1_input, s2_input)

if __name__ == "__main__":
    import jax
    _d = setup_inputs()
    print(jax.jit(kernel)(*tuple(_d.values())))

</pallas_src>

<mosaic_0001>
#map = affine_map<(d0, d1) -> (0, 0)>
#map1 = affine_map<(d0, d1) -> (0, 0, 0)>
module attributes {stable_mosaic.version = 14 : i64} {
  func.func @_gather_body(%arg0: i32, %arg1: i32, %arg2: memref<4096x128xi32, #tpu.memory_space<hbm>>, %arg3: memref<4096x128xi32, #tpu.memory_space<hbm>>, %arg4: memref<1000000x128xf32, #tpu.memory_space<hbm>>, %arg5: memref<4096x50x128xf32, #tpu.memory_space<hbm>>, %arg6: memref<4096x50x128xf32, #tpu.memory_space<hbm>>, %arg7: memref<256x128xi32, #tpu.memory_space<vmem>>, %arg8: memref<3x4x50x128xf32, #tpu.memory_space<vmem>>, %arg9: memref<!tpu.dma_semaphore, #tpu.memory_space<semaphore_mem>>, %arg10: memref<3x!tpu.dma_semaphore, #tpu.memory_space<semaphore_mem>>) attributes {dimension_semantics = [#tpu.dimension_semantics<core_parallel>, #tpu.dimension_semantics<subcore_parallel>], iteration_bounds = array<i64: 2, 16>, scalar_prefetch = 0 : i64, scratch_operands = 4 : i64, tpu.core_type = #tpu.core_type<sc_vector_subcore>, window_params = [{transform_indices = #map}, {transform_indices = #map}, {transform_indices = #map}, {transform_indices = #map1}, {transform_indices = #map1}]} {
    %mul3A = arith.constant 256 : i32
    %mul3A_0 = arith.muli %arg1, %mul3A : i32
    %eq3A = arith.constant 0 : i32
    %eq3A_1 = arith.cmpi eq, %arg0, %eq3A : i32
    %convert_element_type3A = arith.extui %eq3A_1 : i1 to i32
    %cond3A = arith.constant 0 : i32
    %cond3A_2 = arith.cmpi ne, %convert_element_type3A, %cond3A : i32
    scf.if %cond3A_2 {
      "tpu.region"() ({
        %run_scoped3A = tpu.sem_alloc : memref<!tpu.dma_semaphore, #tpu.memory_space<semaphore_mem>>
        %dma_start3A = arith.constant 0 : i32
        %dma_start3A_77 = tpu.memref_slice %arg2[%mul3A_0, %dma_start3A] : memref<4096x128xi32, #tpu.memory_space<hbm>> -> memref<256x128xi32, #tpu.memory_space<hbm>>
        %dma_start3A_78 = arith.constant 0 : i32
        %dma_start3A_79 = tpu.memref_slice %arg2[%mul3A_0, %dma_start3A_78] : memref<4096x128xi32, #tpu.memory_space<hbm>> -> memref<256x128xi32, #tpu.memory_space<hbm>>
        tpu.enqueue_dma source(%dma_start3A_79 : memref<256x128xi32, #tpu.memory_space<hbm>>) target(%arg7 : memref<256x128xi32, #tpu.memory_space<vmem>>) target_semaphore(%run_scoped3A : memref<!tpu.dma_semaphore, #tpu.memory_space<semaphore_mem>>)
        %dma_wait3A_80 = arith.constant 0 : i32
        %dma_wait3A_81 = tpu.memref_slice %arg2[%mul3A_0, %dma_wait3A_80] : memref<4096x128xi32, #tpu.memory_space<hbm>> -> memref<256x128xi32, #tpu.memory_space<hbm>>
        %dma_wait3A_82 = arith.constant 0 : i32
        %dma_wait3A_83 = tpu.memref_slice %arg2[%mul3A_0, %dma_wait3A_82] : memref<4096x128xi32, #tpu.memory_space<hbm>> -> memref<256x128xi32, #tpu.memory_space<hbm>>
        tpu.wait_dma2 semaphore(%run_scoped3A : memref<!tpu.dma_semaphore, #tpu.memory_space<semaphore_mem>>) src(%dma_wait3A_83 : memref<256x128xi32, #tpu.memory_space<hbm>>) dst(%arg7 : memref<256x128xi32, #tpu.memory_space<vmem>>)
        tpu.yield
      }) : () -> ()
      %scan3A = arith.constant 0 : i32
      %scan3A_8 = arith.constant 0 : i32
      %scan3A_9 = arith.constant 64 : i32
      %scan3A_10 = arith.addi %scan3A_8, %scan3A_9 : i32
      %scan3A_11 = arith.constant 1 : i32
      scf.for %scan3A_77 = %scan3A_8 to %scan3A_10 step %scan3A_11  : i32 {
        %rem3A = arith.constant 3 : i32
        %rem3A_78 = arith.remsi %scan3A_77, %rem3A : i32
        %mul3A_79 = arith.constant 4 : i32
        %mul3A_80 = arith.muli %scan3A_77, %mul3A_79 : i32
        %add3A_81 = arith.addi %mul3A_0, %mul3A_80 : i32
        %ge3A = arith.constant 3 : i32
        %ge3A_82 = arith.cmpi sge, %scan3A_77, %ge3A : i32
        %convert_element_type3A_83 = arith.extui %ge3A_82 : i1 to i32
        %cond3A_84 = arith.constant 0 : i32
        %cond3A_85 = arith.cmpi ne, %convert_element_type3A_83, %cond3A_84 : i32
        scf.if %cond3A_85 {
          %sub3A = arith.constant 12 : i32
          %sub3A_207 = arith.subi %add3A_81, %sub3A : i32
          %dma_wait3A_208 = arith.constant 0 : i32
          %dma_wait3A_209 = arith.constant 0 : i32
          %dma_wait3A_210 = arith.constant 0 : i32
          %dma_wait3A_211 = tpu.memref_slice %arg8[%rem3A_78, %dma_wait3A_208, %dma_wait3A_209, %dma_wait3A_210] : memref<3x4x50x128xf32, #tpu.memory_space<vmem>> -> memref<1x4x50x128xf32, #tpu.memory_space<vmem>>
          %dma_wait3A_212 = tpu.memref_squeeze %dma_wait3A_211 : memref<1x4x50x128xf32, #tpu.memory_space<vmem>> -> memref<4x50x128xf32, #tpu.memory_space<vmem>>
          %dma_wait3A_213 = arith.constant 0 : i32
          %dma_wait3A_214 = arith.constant 0 : i32
          %dma_wait3A_215 = tpu.memref_slice %arg5[%sub3A_207, %dma_wait3A_213, %dma_wait3A_214] : memref<4096x50x128xf32, #tpu.memory_space<hbm>> -> memref<4x50x128xf32, #tpu.memory_space<hbm>>
          %dma_wait3A_216 = tpu.memref_slice %arg10[%rem3A_78] : memref<3x!tpu.dma_semaphore, #tpu.memory_space<semaphore_mem>> -> memref<1x!tpu.dma_semaphore, #tpu.memory_space<semaphore_mem>>
          %dma_wait3A_217 = tpu.memref_squeeze %dma_wait3A_216 : memref<1x!tpu.dma_semaphore, #tpu.memory_space<semaphore_mem>> -> memref<!tpu.dma_semaphore, #tpu.memory_space<semaphore_mem>>
          %dma_wait3A_218 = arith.constant 0 : i32
          %dma_wait3A_219 = arith.constant 0 : i32
          %dma_wait3A_220 = tpu.memref_slice %arg5[%sub3A_207, %dma_wait3A_218, %dma_wait3A_219] : memref<4096x50x128xf32, #tpu.memory_space<hbm>> -> memref<4x50x128xf32, #tpu.memory_space<hbm>>
          %dma_wait3A_221 = arith.constant 0 : i32
          %dma_wait3A_222 = arith.constant 0 : i32
          %dma_wait3A_223 = arith.constant 0 : i32
          %dma_wait3A_224 = tpu.memref_slice %arg8[%rem3A_78, %dma_wait3A_221, %dma_wait3A_222, %dma_wait3A_223] : memref<3x4x50x128xf32, #tpu.memory_space<vmem>> -> memref<1x4x50x128xf32, #tpu.memory_space<vmem>>
          %dma_wait3A_225 = tpu.memref_squeeze %dma_wait3A_224 : memref<1x4x50x128xf32, #tpu.memory_space<vmem>> -> memref<4x50x128xf32, #tpu.memory_space<vmem>>
          tpu.wait_dma2 semaphore(%dma_wait3A_217 : memref<!tpu.dma_semaphore, #tpu.memory_space<semaphore_mem>>) src(%dma_wait3A_225 : memref<4x50x128xf32, #tpu.memory_space<vmem>>) dst(%dma_wait3A_220 : memref<4x50x128xf32, #tpu.memory_space<hbm>>)
        } else {
        }
        %mul3A_86 = arith.constant 4 : i32
        %mul3A_87 = arith.muli %scan3A_77, %mul3A_86 : i32
        %add3A_88 = arith.constant 0 : i32
        %add3A_89 = arith.addi %mul3A_87, %add3A_88 : i32
        %dma_start3A = arith.constant 0 : i32
        %dma_start3A_90 = arith.constant 0 : i32
        %dma_start3A_91 = arith.constant 0 : i32
        %dma_start3A_92 = tpu.memref_slice %arg8[%rem3A_78, %dma_start3A, %dma_start3A_90, %dma_start3A_91] : memref<3x4x50x128xf32, #tpu.memory_space<vmem>> -> memref<1x1x50x128xf32, #tpu.memory_space<vmem>>
        %dma_start3A_93 = tpu.memref_squeeze %dma_start3A_92 : memref<1x1x50x128xf32, #tpu.memory_space<vmem>> -> memref<50x128xf32, #tpu.memory_space<vmem>>
        %dma_start3A_94 = arith.constant 0 : i32
        %dma_start3A_95 = tpu.memref_slice %arg7[%add3A_89, %dma_start3A_94] : memref<256x128xi32, #tpu.memory_space<vmem>> -> memref<1x50xi32, #tpu.memory_space<vmem>>
        %dma_start3A_96 = tpu.memref_squeeze %dma_start3A_95 : memref<1x50xi32, #tpu.memory_space<vmem>> -> memref<50xi32, #tpu.memory_space<vmem>>
        %dma_start3A_97 = arith.constant 0 : i32
        %dma_start3A_98 = arith.constant 0 : i32
        %dma_start3A_99 = tpu.memref_slice %arg4[%dma_start3A_97, %dma_start3A_98] : memref<1000000x128xf32, #tpu.memory_space<hbm>> -> memref<1000000x128xf32, #tpu.memory_space<hbm>>
        tpu.enqueue_indirect_dma source(%dma_start3A_99 : memref<1000000x128xf32, #tpu.memory_space<hbm>>) target(%dma_start3A_93 : memref<50x128xf32, #tpu.memory_space<vmem>>) offsets(%dma_start3A_96 : memref<50xi32, #tpu.memory_space<vmem>>) semaphore(%arg9 : memref<!tpu.dma_semaphore, #tpu.memory_space<semaphore_mem>>)
        %mul3A_100 = arith.constant 4 : i32
        %mul3A_101 = arith.muli %scan3A_77, %mul3A_100 : i32
        %add3A_102 = arith.constant 1 : i32
        %add3A_103 = arith.addi %mul3A_101, %add3A_102 : i32
        %dma_start3A_104 = arith.constant 1 : i32
        %dma_start3A_105 = arith.constant 0 : i32
        %dma_start3A_106 = arith.constant 0 : i32
        %dma_start3A_107 = tpu.memref_slice %arg8[%rem3A_78, %dma_start3A_104, %dma_start3A_105, %dma_start3A_106] : memref<3x4x50x128xf32, #tpu.memory_space<vmem>> -> memref<1x1x50x128xf32, #tpu.memory_space<vmem>>
        %dma_start3A_108 = tpu.memref_squeeze %dma_start3A_107 : memref<1x1x50x128xf32, #tpu.memory_space<vmem>> -> memref<50x128xf32, #tpu.memory_space<vmem>>
        %dma_start3A_109 = arith.constant 0 : i32
        %dma_start3A_110 = tpu.memref_slice %arg7[%add3A_103, %dma_start3A_109] : memref<256x128xi32, #tpu.memory_space<vmem>> -> memref<1x50xi32, #tpu.memory_space<vmem>>
        %dma_start3A_111 = tpu.memref_squeeze %dma_start3A_110 : memref<1x50xi32, #tpu.memory_space<vmem>> -> memref<50xi32, #tpu.memory_space<vmem>>
        %dma_start3A_112 = arith.constant 0 : i32
        %dma_start3A_113 = arith.constant 0 : i32
        %dma_start3A_114 = tpu.memref_slice %arg4[%dma_start3A_112, %dma_start3A_113] : memref<1000000x128xf32, #tpu.memory_space<hbm>> -> memref<1000000x128xf32, #tpu.memory_space<hbm>>
        tpu.enqueue_indirect_dma source(%dma_start3A_114 : memref<1000000x128xf32, #tpu.memory_space<hbm>>) target(%dma_start3A_108 : memref<50x128xf32, #tpu.memory_space<vmem>>) offsets(%dma_start3A_111 : memref<50xi32, #tpu.memory_space<vmem>>) semaphore(%arg9 : memref<!tpu.dma_semaphore, #tpu.memory_space<semaphore_mem>>)
        %mul3A_115 = arith.constant 4 : i32
        %mul3A_116 = arith.muli %scan3A_77, %mul3A_115 : i32
        %add3A_117 = arith.constant 2 : i32
        %add3A_118 = arith.addi %mul3A_116, %add3A_117 : i32
        %dma_start3A_119 = arith.constant 2 : i32
        %dma_start3A_120 = arith.constant 0 : i32
        %dma_start3A_121 = arith.constant 0 : i32
        %dma_start3A_122 = tpu.memref_slice %arg8[%rem3A_78, %dma_start3A_119, %dma_start3A_120, %dma_start3A_121] : memref<3x4x50x128xf32, #tpu.memory_space<vmem>> -> memref<1x1x50x128xf32, #tpu.memory_space<vmem>>
        %dma_start3A_123 = tpu.memref_squeeze %dma_start3A_122 : memref<1x1x50x128xf32, #tpu.memory_space<vmem>> -> memref<50x128xf32, #tpu.memory_space<vmem>>
        %dma_start3A_124 = arith.constant 0 : i32
        %dma_start3A_125 = tpu.memref_slice %arg7[%add3A_118, %dma_start3A_124] : memref<256x128xi32, #tpu.memory_space<vmem>> -> memref<1x50xi32, #tpu.memory_space<vmem>>
        %dma_start3A_126 = tpu.memref_squeeze %dma_start3A_125 : memref<1x50xi32, #tpu.memory_space<vmem>> -> memref<50xi32, #tpu.memory_space<vmem>>
        %dma_start3A_127 = arith.constant 0 : i32
        %dma_start3A_128 = arith.constant 0 : i32
        %dma_start3A_129 = tpu.memref_slice %arg4[%dma_start3A_127, %dma_start3A_128] : memref<1000000x128xf32, #tpu.memory_space<hbm>> -> memref<1000000x128xf32, #tpu.memory_space<hbm>>
        tpu.enqueue_indirect_dma source(%dma_start3A_129 : memref<1000000x128xf32, #tpu.memory_space<hbm>>) target(%dma_start3A_123 : memref<50x128xf32, #tpu.memory_space<vmem>>) offsets(%dma_start3A_126 : memref<50xi32, #tpu.memory_space<vmem>>) semaphore(%arg9 : memref<!tpu.dma_semaphore, #tpu.memory_space<semaphore_mem>>)
        %mul3A_130 = arith.constant 4 : i32
        %mul3A_131 = arith.muli %scan3A_77, %mul3A_130 : i32
        %add3A_132 = arith.constant 3 : i32
        %add3A_133 = arith.addi %mul3A_131, %add3A_132 : i32
        %dma_start3A_134 = arith.constant 3 : i32
        %dma_start3A_135 = arith.constant 0 : i32
        %dma_start3A_136 = arith.constant 0 : i32
        %dma_start3A_137 = tpu.memref_slice %arg8[%rem3A_78, %dma_start3A_134, %dma_start3A_135, %dma_start3A_136] : memref<3x4x50x128xf32, #tpu.memory_space<vmem>> -> memref<1x1x50x128xf32, #tpu.memory_space<vmem>>
        %dma_start3A_138 = tpu.memref_squeeze %dma_start3A_137 : memref<1x1x50x128xf32, #tpu.memory_space<vmem>> -> memref<50x128xf32, #tpu.memory_space<vmem>>
        %dma_start3A_139 = arith.constant 0 : i32
        %dma_start3A_140 = tpu.memref_slice %arg7[%add3A_133, %dma_start3A_139] : memref<256x128xi32, #tpu.memory_space<vmem>> -> memref<1x50xi32, #tpu.memory_space<vmem>>
        %dma_start3A_141 = tpu.memref_squeeze %dma_start3A_140 : memref<1x50xi32, #tpu.memory_space<vmem>> -> memref<50xi32, #tpu.memory_space<vmem>>
        %dma_start3A_142 = arith.constant 0 : i32
        %dma_start3A_143 = arith.constant 0 : i32
        %dma_start3A_144 = tpu.memref_slice %arg4[%dma_start3A_142, %dma_start3A_143] : memref<1000000x128xf32, #tpu.memory_space<hbm>> -> memref<1000000x128xf32, #tpu.memory_space<hbm>>
        tpu.enqueue_indirect_dma source(%dma_start3A_144 : memref<1000000x128xf32, #tpu.memory_space<hbm>>) target(%dma_start3A_138 : memref<50x128xf32, #tpu.memory_space<vmem>>) offsets(%dma_start3A_141 : memref<50xi32, #tpu.memory_space<vmem>>) semaphore(%arg9 : memref<!tpu.dma_semaphore, #tpu.memory_space<semaphore_mem>>)
        %dma_wait3A_145 = arith.constant 0 : i32
        %dma_wait3A_146 = arith.constant 0 : i32
        %dma_wait3A_147 = arith.constant 0 : i32
        %dma_wait3A_148 = tpu.memref_slice %arg8[%rem3A_78, %dma_wait3A_145, %dma_wait3A_146, %dma_wait3A_147] : memref<3x4x50x128xf32, #tpu.memory_space<vmem>> -> memref<1x1x50x128xf32, #tpu.memory_space<vmem>>
        %dma_wait3A_149 = tpu.memref_squeeze %dma_wait3A_148 : memref<1x1x50x128xf32, #tpu.memory_space<vmem>> -> memref<50x128xf32, #tpu.memory_space<vmem>>
        %dma_wait3A_150 = arith.constant 0 : i32
        %dma_wait3A_151 = tpu.memref_slice %arg7[%add3A_89, %dma_wait3A_150] : memref<256x128xi32, #tpu.memory_space<vmem>> -> memref<1x50xi32, #tpu.memory_space<vmem>>
        %dma_wait3A_152 = tpu.memref_squeeze %dma_wait3A_151 : memref<1x50xi32, #tpu.memory_space<vmem>> -> memref<50xi32, #tpu.memory_space<vmem>>
        %dma_wait3A_153 = arith.constant 0 : i32
        %dma_wait3A_154 = arith.constant 0 : i32
        %dma_wait3A_155 = tpu.memref_slice %arg4[%dma_wait3A_153, %dma_wait3A_154] : memref<1000000x128xf32, #tpu.memory_space<hbm>> -> memref<1000000x128xf32, #tpu.memory_space<hbm>>
        tpu.wait_indirect_dma semaphore(%arg9 : memref<!tpu.dma_semaphore, #tpu.memory_space<semaphore_mem>>) src(%dma_wait3A_155 : memref<1000000x128xf32, #tpu.memory_space<hbm>>) dst(%dma_wait3A_149 : memref<50x128xf32, #tpu.memory_space<vmem>>)
        %dma_wait3A_156 = arith.constant 1 : i32
        %dma_wait3A_157 = arith.constant 0 : i32
        %dma_wait3A_158 = arith.constant 0 : i32
        %dma_wait3A_159 = tpu.memref_slice %arg8[%rem3A_78, %dma_wait3A_156, %dma_wait3A_157, %dma_wait3A_158] : memref<3x4x50x128xf32, #tpu.memory_space<vmem>> -> memref<1x1x50x128xf32, #tpu.memory_space<vmem>>
        %dma_wait3A_160 = tpu.memref_squeeze %dma_wait3A_159 : memref<1x1x50x128xf32, #tpu.memory_space<vmem>> -> memref<50x128xf32, #tpu.memory_space<vmem>>
        %dma_wait3A_161 = arith.constant 0 : i32
        %dma_wait3A_162 = tpu.memref_slice %arg7[%add3A_103, %dma_wait3A_161] : memref<256x128xi32, #tpu.memory_space<vmem>> -> memref<1x50xi32, #tpu.memory_space<vmem>>
        %dma_wait3A_163 = tpu.memref_squeeze %dma_wait3A_162 : memref<1x50xi32, #tpu.memory_space<vmem>> -> memref<50xi32, #tpu.memory_space<vmem>>
        %dma_wait3A_164 = arith.constant 0 : i32
        %dma_wait3A_165 = arith.constant 0 : i32
        %dma_wait3A_166 = tpu.memref_slice %arg4[%dma_wait3A_164, %dma_wait3A_165] : memref<1000000x128xf32, #tpu.memory_space<hbm>> -> memref<1000000x128xf32, #tpu.memory_space<hbm>>
        tpu.wait_indirect_dma semaphore(%arg9 : memref<!tpu.dma_semaphore, #tpu.memory_space<semaphore_mem>>) src(%dma_wait3A_166 : memref<1000000x128xf32, #tpu.memory_space<hbm>>) dst(%dma_wait3A_160 : memref<50x128xf32, #tpu.memory_space<vmem>>)
        %dma_wait3A_167 = arith.constant 2 : i32
        %dma_wait3A_168 = arith.constant 0 : i32
        %dma_wait3A_169 = arith.constant 0 : i32
        %dma_wait3A_170 = tpu.memref_slice %arg8[%rem3A_78, %dma_wait3A_167, %dma_wait3A_168, %dma_wait3A_169] : memref<3x4x50x128xf32, #tpu.memory_space<vmem>> -> memref<1x1x50x128xf32, #tpu.memory_space<vmem>>
        %dma_wait3A_171 = tpu.memref_squeeze %dma_wait3A_170 : memref<1x1x50x128xf32, #tpu.memory_space<vmem>> -> memref<50x128xf32, #tpu.memory_space<vmem>>
        %dma_wait3A_172 = arith.constant 0 : i32
        %dma_wait3A_173 = tpu.memref_slice %arg7[%add3A_118, %dma_wait3A_172] : memref<256x128xi32, #tpu.memory_space<vmem>> -> memref<1x50xi32, #tpu.memory_space<vmem>>
        %dma_wait3A_174 = tpu.memref_squeeze %dma_wait3A_173 : memref<1x50xi32, #tpu.memory_space<vmem>> -> memref<50xi32, #tpu.memory_space<vmem>>
        %dma_wait3A_175 = arith.constant 0 : i32
        %dma_wait3A_176 = arith.constant 0 : i32
        %dma_wait3A_177 = tpu.memref_slice %arg4[%dma_wait3A_175, %dma_wait3A_176] : memref<1000000x128xf32, #tpu.memory_space<hbm>> -> memref<1000000x128xf32, #tpu.memory_space<hbm>>
        tpu.wait_indirect_dma semaphore(%arg9 : memref<!tpu.dma_semaphore, #tpu.memory_space<semaphore_mem>>) src(%dma_wait3A_177 : memref<1000000x128xf32, #tpu.memory_space<hbm>>) dst(%dma_wait3A_171 : memref<50x128xf32, #tpu.memory_space<vmem>>)
        %dma_wait3A_178 = arith.constant 3 : i32
        %dma_wait3A_179 = arith.constant 0 : i32
        %dma_wait3A_180 = arith.constant 0 : i32
        %dma_wait3A_181 = tpu.memref_slice %arg8[%rem3A_78, %dma_wait3A_178, %dma_wait3A_179, %dma_wait3A_180] : memref<3x4x50x128xf32, #tpu.memory_space<vmem>> -> memref<1x1x50x128xf32, #tpu.memory_space<vmem>>
        %dma_wait3A_182 = tpu.memref_squeeze %dma_wait3A_181 : memref<1x1x50x128xf32, #tpu.memory_space<vmem>> -> memref<50x128xf32, #tpu.memory_space<vmem>>
        %dma_wait3A_183 = arith.constant 0 : i32
        %dma_wait3A_184 = tpu.memref_slice %arg7[%add3A_133, %dma_wait3A_183] : memref<256x128xi32, #tpu.memory_space<vmem>> -> memref<1x50xi32, #tpu.memory_space<vmem>>
        %dma_wait3A_185 = tpu.memref_squeeze %dma_wait3A_184 : memref<1x50xi32, #tpu.memory_space<vmem>> -> memref<50xi32, #tpu.memory_space<vmem>>
        %dma_wait3A_186 = arith.constant 0 : i32
        %dma_wait3A_187 = arith.constant 0 : i32
        %dma_wait3A_188 = tpu.memref_slice %arg4[%dma_wait3A_186, %dma_wait3A_187] : memref<1000000x128xf32, #tpu.memory_space<hbm>> -> memref<1000000x128xf32, #tpu.memory_space<hbm>>
        tpu.wait_indirect_dma semaphore(%arg9 : memref<!tpu.dma_semaphore, #tpu.memory_space<semaphore_mem>>) src(%dma_wait3A_188 : memref<1000000x128xf32, #tpu.memory_space<hbm>>) dst(%dma_wait3A_182 : memref<50x128xf32, #tpu.memory_space<vmem>>)
        %dma_start3A_189 = arith.constant 0 : i32
        %dma_start3A_190 = arith.constant 0 : i32
        %dma_start3A_191 = arith.constant 0 : i32
        %dma_start3A_192 = tpu.memref_slice %arg8[%rem3A_78, %dma_start3A_189, %dma_start3A_190, %dma_start3A_191] : memref<3x4x50x128xf32, #tpu.memory_space<vmem>> -> memref<1x4x50x128xf32, #tpu.memory_space<vmem>>
        %dma_start3A_193 = tpu.memref_squeeze %dma_start3A_192 : memref<1x4x50x128xf32, #tpu.memory_space<vmem>> -> memref<4x50x128xf32, #tpu.memory_space<vmem>>
        %dma_start3A_194 = arith.constant 0 : i32
        %dma_start3A_195 = arith.constant 0 : i32
        %dma_start3A_196 = tpu.memref_slice %arg5[%add3A_81, %dma_start3A_194, %dma_start3A_195] : memref<4096x50x128xf32, #tpu.memory_space<hbm>> -> memref<4x50x128xf32, #tpu.memory_space<hbm>>
        %dma_start3A_197 = tpu.memref_slice %arg10[%rem3A_78] : memref<3x!tpu.dma_semaphore, #tpu.memory_space<semaphore_mem>> -> memref<1x!tpu.dma_semaphore, #tpu.memory_space<semaphore_mem>>
        %dma_start3A_198 = tpu.memref_squeeze %dma_start3A_197 : memref<1x!tpu.dma_semaphore, #tpu.memory_space<semaphore_mem>> -> memref<!tpu.dma_semaphore, #tpu.memory_space<semaphore_mem>>
        %dma_start3A_199 = arith.constant 0 : i32
        %dma_start3A_200 = arith.constant 0 : i32
        %dma_start3A_201 = tpu.memref_slice %arg5[%add3A_81, %dma_start3A_199, %dma_start3A_200] : memref<4096x50x128xf32, #tpu.memory_space<hbm>> -> memref<4x50x128xf32, #tpu.memory_space<hbm>>
        %dma_start3A_202 = arith.constant 0 : i32
        %dma_start3A_203 = arith.constant 0 : i32
        %dma_start3A_204 = arith.constant 0 : i32
        %dma_start3A_205 = tpu.memref_slice %arg8[%rem3A_78, %dma_start3A_202, %dma_start3A_203, %dma_start3A_204] : memref<3x4x50x128xf32, #tpu.memory_space<vmem>> -> memref<1x4x50x128xf32, #tpu.memory_space<vmem>>
        %dma_start3A_206 = tpu.memref_squeeze %dma_start3A_205 : memref<1x4x50x128xf32, #tpu.memory_space<vmem>> -> memref<4x50x128xf32, #tpu.memory_space<vmem>>
        tpu.enqueue_dma source(%dma_start3A_206 : memref<4x50x128xf32, #tpu.memory_space<vmem>>) target(%dma_start3A_201 : memref<4x50x128xf32, #tpu.memory_space<hbm>>) target_semaphore(%dma_start3A_198 : memref<!tpu.dma_semaphore, #tpu.memory_space<semaphore_mem>>)
      }
      %scan3A_12 = arith.constant 64 : i32
      %add3A = arith.constant 244 : i32
      %add3A_13 = arith.addi %mul3A_0, %add3A : i32
      %dma_wait3A = arith.constant 1 : i32
      %dma_wait3A_14 = arith.constant 1 : i32
      %dma_wait3A_15 = arith.constant 0 : i32
      %dma_wait3A_16 = arith.constant 0 : i32
      %dma_wait3A_17 = arith.constant 0 : i32
      %dma_wait3A_18 = tpu.memref_slice %arg8[%dma_wait3A, %dma_wait3A_15, %dma_wait3A_16, %dma_wait3A_17] : memref<3x4x50x128xf32, #tpu.memory_space<vmem>> -> memref<1x4x50x128xf32, #tpu.memory_space<vmem>>
      %dma_wait3A_19 = tpu.memref_squeeze %dma_wait3A_18 : memref<1x4x50x128xf32, #tpu.memory_space<vmem>> -> memref<4x50x128xf32, #tpu.memory_space<vmem>>
      %dma_wait3A_20 = arith.constant 0 : i32
      %dma_wait3A_21 = arith.constant 0 : i32
      %dma_wait3A_22 = tpu.memref_slice %arg5[%add3A_13, %dma_wait3A_20, %dma_wait3A_21] : memref<4096x50x128xf32, #tpu.memory_space<hbm>> -> memref<4x50x128xf32, #tpu.memory_space<hbm>>
      %dma_wait3A_23 = tpu.memref_slice %arg10[%dma_wait3A_14] : memref<3x!tpu.dma_semaphore, #tpu.memory_space<semaphore_mem>> -> memref<1x!tpu.dma_semaphore, #tpu.memory_space<semaphore_mem>>
      %dma_wait3A_24 = tpu.memref_squeeze %dma_wait3A_23 : memref<1x!tpu.dma_semaphore, #tpu.memory_space<semaphore_mem>> -> memref<!tpu.dma_semaphore, #tpu.memory_space<semaphore_mem>>
      %dma_wait3A_25 = arith.constant 0 : i32
      %dma_wait3A_26 = arith.constant 0 : i32
      %dma_wait3A_27 = tpu.memref_slice %arg5[%add3A_13, %dma_wait3A_25, %dma_wait3A_26] : memref<4096x50x128xf32, #tpu.memory_space<hbm>> -> memref<4x50x128xf32, #tpu.memory_space<hbm>>
      %dma_wait3A_28 = arith.constant 0 : i32
      %dma_wait3A_29 = arith.constant 0 : i32
      %dma_wait3A_30 = arith.constant 0 : i32
      %dma_wait3A_31 = tpu.memref_slice %arg8[%dma_wait3A, %dma_wait3A_28, %dma_wait3A_29, %dma_wait3A_30] : memref<3x4x50x128xf32, #tpu.memory_space<vmem>> -> memref<1x4x50x128xf32, #tpu.memory_space<vmem>>
      %dma_wait3A_32 = tpu.memref_squeeze %dma_wait3A_31 : memref<1x4x50x128xf32, #tpu.memory_space<vmem>> -> memref<4x50x128xf32, #tpu.memory_space<vmem>>
      tpu.wait_dma2 semaphore(%dma_wait3A_24 : memref<!tpu.dma_semaphore, #tpu.memory_space<semaphore_mem>>) src(%dma_wait3A_32 : memref<4x50x128xf32, #tpu.memory_space<vmem>>) dst(%dma_wait3A_27 : memref<4x50x128xf32, #tpu.memory_space<hbm>>)
      %add3A_33 = arith.constant 248 : i32
      %add3A_34 = arith.addi %mul3A_0, %add3A_33 : i32
      %dma_wait3A_35 = arith.constant 2 : i32
      %dma_wait3A_36 = arith.constant 2 : i32
      %dma_wait3A_37 = arith.constant 0 : i32
      %dma_wait3A_38 = arith.constant 0 : i32
      %dma_wait3A_39 = arith.constant 0 : i32
      %dma_wait3A_40 = tpu.memref_slice %arg8[%dma_wait3A_35, %dma_wait3A_37, %dma_wait3A_38, %dma_wait3A_39] : memref<3x4x50x128xf32, #tpu.memory_space<vmem>> -> memref<1x4x50x128xf32, #tpu.memory_space<vmem>>
      %dma_wait3A_41 = tpu.memref_squeeze %dma_wait3A_40 : memref<1x4x50x128xf32, #tpu.memory_space<vmem>> -> memref<4x50x128xf32, #tpu.memory_space<vmem>>
      %dma_wait3A_42 = arith.constant 0 : i32
      %dma_wait3A_43 = arith.constant 0 : i32
      %dma_wait3A_44 = tpu.memref_slice %arg5[%add3A_34, %dma_wait3A_42, %dma_wait3A_43] : memref<4096x50x128xf32, #tpu.memory_space<hbm>> -> memref<4x50x128xf32, #tpu.memory_space<hbm>>
      %dma_wait3A_45 = tpu.memref_slice %arg10[%dma_wait3A_36] : memref<3x!tpu.dma_semaphore, #tpu.memory_space<semaphore_mem>> -> memref<1x!tpu.dma_semaphore, #tpu.memory_space<semaphore_mem>>
      %dma_wait3A_46 = tpu.memref_squeeze %dma_wait3A_45 : memref<1x!tpu.dma_semaphore, #tpu.memory_space<semaphore_mem>> -> memref<!tpu.dma_semaphore, #tpu.memory_space<semaphore_mem>>
      %dma_wait3A_47 = arith.constant 0 : i32
      %dma_wait3A_48 = arith.constant 0 : i32
      %dma_wait3A_49 = tpu.memref_slice %arg5[%add3A_34, %dma_wait3A_47, %dma_wait3A_48] : memref<4096x50x128xf32, #tpu.memory_space<hbm>> -> memref<4x50x128xf32, #tpu.memory_space<hbm>>
      %dma_wait3A_50 = arith.constant 0 : i32
      %dma_wait3A_51 = arith.constant 0 : i32
      %dma_wait3A_52 = arith.constant 0 : i32
      %dma_wait3A_53 = tpu.memref_slice %arg8[%dma_wait3A_35, %dma_wait3A_50, %dma_wait3A_51, %dma_wait3A_52] : memref<3x4x50x128xf32, #tpu.memory_space<vmem>> -> memref<1x4x50x128xf32, #tpu.memory_space<vmem>>
      %dma_wait3A_54 = tpu.memref_squeeze %dma_wait3A_53 : memref<1x4x50x128xf32, #tpu.memory_space<vmem>> -> memref<4x50x128xf32, #tpu.memory_space<vmem>>
      tpu.wait_dma2 semaphore(%dma_wait3A_46 : memref<!tpu.dma_semaphore, #tpu.memory_space<semaphore_mem>>) src(%dma_wait3A_54 : memref<4x50x128xf32, #tpu.memory_space<vmem>>) dst(%dma_wait3A_49 : memref<4x50x128xf32, #tpu.memory_space<hbm>>)
      %add3A_55 = arith.constant 252 : i32
      %add3A_56 = arith.addi %mul3A_0, %add3A_55 : i32
      %dma_wait3A_57 = arith.constant 0 : i32
      %dma_wait3A_58 = arith.constant 0 : i32
      %dma_wait3A_59 = arith.constant 0 : i32
      %dma_wait3A_60 = arith.constant 0 : i32
      %dma_wait3A_61 = arith.constant 0 : i32
      %dma_wait3A_62 = tpu.memref_slice %arg8[%dma_wait3A_57, %dma_wait3A_59, %dma_wait3A_60, %dma_wait3A_61] : memref<3x4x50x128xf32, #tpu.memory_space<vmem>> -> memref<1x4x50x128xf32, #tpu.memory_space<vmem>>
      %dma_wait3A_63 = tpu.memref_squeeze %dma_wait3A_62 : memref<1x4x50x128xf32, #tpu.memory_space<vmem>> -> memref<4x50x128xf32, #tpu.memory_space<vmem>>
      %dma_wait3A_64 = arith.constant 0 : i32
      %dma_wait3A_65 = arith.constant 0 : i32
      %dma_wait3A_66 = tpu.memref_slice %arg5[%add3A_56, %dma_wait3A_64, %dma_wait3A_65] : memref<4096x50x128xf32, #tpu.memory_space<hbm>> -> memref<4x50x128xf32, #tpu.memory_space<hbm>>
      %dma_wait3A_67 = tpu.memref_slice %arg10[%dma_wait3A_58] : memref<3x!tpu.dma_semaphore, #tpu.memory_space<semaphore_mem>> -> memref<1x!tpu.dma_semaphore, #tpu.memory_space<semaphore_mem>>
      %dma_wait3A_68 = tpu.memref_squeeze %dma_wait3A_67 : memref<1x!tpu.dma_semaphore, #tpu.memory_space<semaphore_mem>> -> memref<!tpu.dma_semaphore, #tpu.memory_space<semaphore_mem>>
      %dma_wait3A_69 = arith.constant 0 : i32
      %dma_wait3A_70 = arith.constant 0 : i32
      %dma_wait3A_71 = tpu.memref_slice %arg5[%add3A_56, %dma_wait3A_69, %dma_wait3A_70] : memref<4096x50x128xf32, #tpu.memory_space<hbm>> -> memref<4x50x128xf32, #tpu.memory_space<hbm>>
      %dma_wait3A_72 = arith.constant 0 : i32
      %dma_wait3A_73 = arith.constant 0 : i32
      %dma_wait3A_74 = arith.constant 0 : i32
      %dma_wait3A_75 = tpu.memref_slice %arg8[%dma_wait3A_57, %dma_wait3A_72, %dma_wait3A_73, %dma_wait3A_74] : memref<3x4x50x128xf32, #tpu.memory_space<vmem>> -> memref<1x4x50x128xf32, #tpu.memory_space<vmem>>
      %dma_wait3A_76 = tpu.memref_squeeze %dma_wait3A_75 : memref<1x4x50x128xf32, #tpu.memory_space<vmem>> -> memref<4x50x128xf32, #tpu.memory_space<vmem>>
      tpu.wait_dma2 semaphore(%dma_wait3A_68 : memref<!tpu.dma_semaphore, #tpu.memory_space<semaphore_mem>>) src(%dma_wait3A_76 : memref<4x50x128xf32, #tpu.memory_space<vmem>>) dst(%dma_wait3A_71 : memref<4x50x128xf32, #tpu.memory_space<hbm>>)
    } else {
    }
    %eq3A_3 = arith.constant 1 : i32
    %eq3A_4 = arith.cmpi eq, %arg0, %eq3A_3 : i32
    %convert_element_type3A_5 = arith.extui %eq3A_4 : i1 to i32
    %cond3A_6 = arith.constant 0 : i32
    %cond3A_7 = arith.cmpi ne, %convert_element_type3A_5, %cond3A_6 : i32
    scf.if %cond3A_7 {
      "tpu.region"() ({
        %run_scoped3A = tpu.sem_alloc : memref<!tpu.dma_semaphore, #tpu.memory_space<semaphore_mem>>
        %dma_start3A = arith.constant 0 : i32
        %dma_start3A_77 = tpu.memref_slice %arg3[%mul3A_0, %dma_start3A] : memref<4096x128xi32, #tpu.memory_space<hbm>> -> memref<256x128xi32, #tpu.memory_space<hbm>>
        %dma_start3A_78 = arith.constant 0 : i32
        %dma_start3A_79 = tpu.memref_slice %arg3[%mul3A_0, %dma_start3A_78] : memref<4096x128xi32, #tpu.memory_space<hbm>> -> memref<256x128xi32, #tpu.memory_space<hbm>>
        tpu.enqueue_dma source(%dma_start3A_79 : memref<256x128xi32, #tpu.memory_space<hbm>>) target(%arg7 : memref<256x128xi32, #tpu.memory_space<vmem>>) target_semaphore(%run_scoped3A : memref<!tpu.dma_semaphore, #tpu.memory_space<semaphore_mem>>)
        %dma_wait3A_80 = arith.constant 0 : i32
        %dma_wait3A_81 = tpu.memref_slice %arg3[%mul3A_0, %dma_wait3A_80] : memref<4096x128xi32, #tpu.memory_space<hbm>> -> memref<256x128xi32, #tpu.memory_space<hbm>>
        %dma_wait3A_82 = arith.constant 0 : i32
        %dma_wait3A_83 = tpu.memref_slice %arg3[%mul3A_0, %dma_wait3A_82] : memref<4096x128xi32, #tpu.memory_space<hbm>> -> memref<256x128xi32, #tpu.memory_space<hbm>>
        tpu.wait_dma2 semaphore(%run_scoped3A : memref<!tpu.dma_semaphore, #tpu.memory_space<semaphore_mem>>) src(%dma_wait3A_83 : memref<256x128xi32, #tpu.memory_space<hbm>>) dst(%arg7 : memref<256x128xi32, #tpu.memory_space<vmem>>)
        tpu.yield
      }) : () -> ()
      %scan3A = arith.constant 0 : i32
      %scan3A_8 = arith.constant 0 : i32
      %scan3A_9 = arith.constant 64 : i32
      %scan3A_10 = arith.addi %scan3A_8, %scan3A_9 : i32
      %scan3A_11 = arith.constant 1 : i32
      scf.for %scan3A_77 = %scan3A_8 to %scan3A_10 step %scan3A_11  : i32 {
        %rem3A = arith.constant 3 : i32
        %rem3A_78 = arith.remsi %scan3A_77, %rem3A : i32
        %mul3A_79 = arith.constant 4 : i32
        %mul3A_80 = arith.muli %scan3A_77, %mul3A_79 : i32
        %add3A_81 = arith.addi %mul3A_0, %mul3A_80 : i32
        %ge3A = arith.constant 3 : i32
        %ge3A_82 = arith.cmpi sge, %scan3A_77, %ge3A : i32
        %convert_element_type3A_83 = arith.extui %ge3A_82 : i1 to i32
        %cond3A_84 = arith.constant 0 : i32
        %cond3A_85 = arith.cmpi ne, %convert_element_type3A_83, %cond3A_84 : i32
        scf.if %cond3A_85 {
          %sub3A = arith.constant 12 : i32
          %sub3A_207 = arith.subi %add3A_81, %sub3A : i32
          %dma_wait3A_208 = arith.constant 0 : i32
          %dma_wait3A_209 = arith.constant 0 : i32
          %dma_wait3A_210 = arith.constant 0 : i32
          %dma_wait3A_211 = tpu.memref_slice %arg8[%rem3A_78, %dma_wait3A_208, %dma_wait3A_209, %dma_wait3A_210] : memref<3x4x50x128xf32, #tpu.memory_space<vmem>> -> memref<1x4x50x128xf32, #tpu.memory_space<vmem>>
          %dma_wait3A_212 = tpu.memref_squeeze %dma_wait3A_211 : memref<1x4x50x128xf32, #tpu.memory_space<vmem>> -> memref<4x50x128xf32, #tpu.memory_space<vmem>>
          %dma_wait3A_213 = arith.constant 0 : i32
          %dma_wait3A_214 = arith.constant 0 : i32
          %dma_wait3A_215 = tpu.memref_slice %arg6[%sub3A_207, %dma_wait3A_213, %dma_wait3A_214] : memref<4096x50x128xf32, #tpu.memory_space<hbm>> -> memref<4x50x128xf32, #tpu.memory_space<hbm>>
          %dma_wait3A_216 = tpu.memref_slice %arg10[%rem3A_78] : memref<3x!tpu.dma_semaphore, #tpu.memory_space<semaphore_mem>> -> memref<1x!tpu.dma_semaphore, #tpu.memory_space<semaphore_mem>>
          %dma_wait3A_217 = tpu.memref_squeeze %dma_wait3A_216 : memref<1x!tpu.dma_semaphore, #tpu.memory_space<semaphore_mem>> -> memref<!tpu.dma_semaphore, #tpu.memory_space<semaphore_mem>>
          %dma_wait3A_218 = arith.constant 0 : i32
          %dma_wait3A_219 = arith.constant 0 : i32
          %dma_wait3A_220 = tpu.memref_slice %arg6[%sub3A_207, %dma_wait3A_218, %dma_wait3A_219] : memref<4096x50x128xf32, #tpu.memory_space<hbm>> -> memref<4x50x128xf32, #tpu.memory_space<hbm>>
          %dma_wait3A_221 = arith.constant 0 : i32
          %dma_wait3A_222 = arith.constant 0 : i32
          %dma_wait3A_223 = arith.constant 0 : i32
          %dma_wait3A_224 = tpu.memref_slice %arg8[%rem3A_78, %dma_wait3A_221, %dma_wait3A_222, %dma_wait3A_223] : memref<3x4x50x128xf32, #tpu.memory_space<vmem>> -> memref<1x4x50x128xf32, #tpu.memory_space<vmem>>
          %dma_wait3A_225 = tpu.memref_squeeze %dma_wait3A_224 : memref<1x4x50x128xf32, #tpu.memory_space<vmem>> -> memref<4x50x128xf32, #tpu.memory_space<vmem>>
          tpu.wait_dma2 semaphore(%dma_wait3A_217 : memref<!tpu.dma_semaphore, #tpu.memory_space<semaphore_mem>>) src(%dma_wait3A_225 : memref<4x50x128xf32, #tpu.memory_space<vmem>>) dst(%dma_wait3A_220 : memref<4x50x128xf32, #tpu.memory_space<hbm>>)
        } else {
        }
        %mul3A_86 = arith.constant 4 : i32
        %mul3A_87 = arith.muli %scan3A_77, %mul3A_86 : i32
        %add3A_88 = arith.constant 0 : i32
        %add3A_89 = arith.addi %mul3A_87, %add3A_88 : i32
        %dma_start3A = arith.constant 0 : i32
        %dma_start3A_90 = arith.constant 0 : i32
        %dma_start3A_91 = arith.constant 0 : i32
        %dma_start3A_92 = tpu.memref_slice %arg8[%rem3A_78, %dma_start3A, %dma_start3A_90, %dma_start3A_91] : memref<3x4x50x128xf32, #tpu.memory_space<vmem>> -> memref<1x1x50x128xf32, #tpu.memory_space<vmem>>
        %dma_start3A_93 = tpu.memref_squeeze %dma_start3A_92 : memref<1x1x50x128xf32, #tpu.memory_space<vmem>> -> memref<50x128xf32, #tpu.memory_space<vmem>>
        %dma_start3A_94 = arith.constant 0 : i32
        %dma_start3A_95 = tpu.memref_slice %arg7[%add3A_89, %dma_start3A_94] : memref<256x128xi32, #tpu.memory_space<vmem>> -> memref<1x50xi32, #tpu.memory_space<vmem>>
        %dma_start3A_96 = tpu.memref_squeeze %dma_start3A_95 : memref<1x50xi32, #tpu.memory_space<vmem>> -> memref<50xi32, #tpu.memory_space<vmem>>
        %dma_start3A_97 = arith.constant 0 : i32
        %dma_start3A_98 = arith.constant 0 : i32
        %dma_start3A_99 = tpu.memref_slice %arg4[%dma_start3A_97, %dma_start3A_98] : memref<1000000x128xf32, #tpu.memory_space<hbm>> -> memref<1000000x128xf32, #tpu.memory_space<hbm>>
        tpu.enqueue_indirect_dma source(%dma_start3A_99 : memref<1000000x128xf32, #tpu.memory_space<hbm>>) target(%dma_start3A_93 : memref<50x128xf32, #tpu.memory_space<vmem>>) offsets(%dma_start3A_96 : memref<50xi32, #tpu.memory_space<vmem>>) semaphore(%arg9 : memref<!tpu.dma_semaphore, #tpu.memory_space<semaphore_mem>>)
        %mul3A_100 = arith.constant 4 : i32
        %mul3A_101 = arith.muli %scan3A_77, %mul3A_100 : i32
        %add3A_102 = arith.constant 1 : i32
        %add3A_103 = arith.addi %mul3A_101, %add3A_102 : i32
        %dma_start3A_104 = arith.constant 1 : i32
        %dma_start3A_105 = arith.constant 0 : i32
        %dma_start3A_106 = arith.constant 0 : i32
        %dma_start3A_107 = tpu.memref_slice %arg8[%rem3A_78, %dma_start3A_104, %dma_start3A_105, %dma_start3A_106] : memref<3x4x50x128xf32, #tpu.memory_space<vmem>> -> memref<1x1x50x128xf32, #tpu.memory_space<vmem>>
        %dma_start3A_108 = tpu.memref_squeeze %dma_start3A_107 : memref<1x1x50x128xf32, #tpu.memory_space<vmem>> -> memref<50x128xf32, #tpu.memory_space<vmem>>
        %dma_start3A_109 = arith.constant 0 : i32
        %dma_start3A_110 = tpu.memref_slice %arg7[%add3A_103, %dma_start3A_109] : memref<256x128xi32, #tpu.memory_space<vmem>> -> memref<1x50xi32, #tpu.memory_space<vmem>>
        %dma_start3A_111 = tpu.memref_squeeze %dma_start3A_110 : memref<1x50xi32, #tpu.memory_space<vmem>> -> memref<50xi32, #tpu.memory_space<vmem>>
        %dma_start3A_112 = arith.constant 0 : i32
        %dma_start3A_113 = arith.constant 0 : i32
        %dma_start3A_114 = tpu.memref_slice %arg4[%dma_start3A_112, %dma_start3A_113] : memref<1000000x128xf32, #tpu.memory_space<hbm>> -> memref<1000000x128xf32, #tpu.memory_space<hbm>>
        tpu.enqueue_indirect_dma source(%dma_start3A_114 : memref<1000000x128xf32, #tpu.memory_space<hbm>>) target(%dma_start3A_108 : memref<50x128xf32, #tpu.memory_space<vmem>>) offsets(%dma_start3A_111 : memref<50xi32, #tpu.memory_space<vmem>>) semaphore(%arg9 : memref<!tpu.dma_semaphore, #tpu.memory_space<semaphore_mem>>)
        %mul3A_115 = arith.constant 4 : i32
        %mul3A_116 = arith.muli %scan3A_77, %mul3A_115 : i32
        %add3A_117 = arith.constant 2 : i32
        %add3A_118 = arith.addi %mul3A_116, %add3A_117 : i32
        %dma_start3A_119 = arith.constant 2 : i32
        %dma_start3A_120 = arith.constant 0 : i32
        %dma_start3A_121 = arith.constant 0 : i32
        %dma_start3A_122 = tpu.memref_slice %arg8[%rem3A_78, %dma_start3A_119, %dma_start3A_120, %dma_start3A_121] : memref<3x4x50x128xf32, #tpu.memory_space<vmem>> -> memref<1x1x50x128xf32, #tpu.memory_space<vmem>>
        %dma_start3A_123 = tpu.memref_squeeze %dma_start3A_122 : memref<1x1x50x128xf32, #tpu.memory_space<vmem>> -> memref<50x128xf32, #tpu.memory_space<vmem>>
        %dma_start3A_124 = arith.constant 0 : i32
        %dma_start3A_125 = tpu.memref_slice %arg7[%add3A_118, %dma_start3A_124] : memref<256x128xi32, #tpu.memory_space<vmem>> -> memref<1x50xi32, #tpu.memory_space<vmem>>
        %dma_start3A_126 = tpu.memref_squeeze %dma_start3A_125 : memref<1x50xi32, #tpu.memory_space<vmem>> -> memref<50xi32, #tpu.memory_space<vmem>>
        %dma_start3A_127 = arith.constant 0 : i32
        %dma_start3A_128 = arith.constant 0 : i32
        %dma_start3A_129 = tpu.memref_slice %arg4[%dma_start3A_127, %dma_start3A_128] : memref<1000000x128xf32, #tpu.memory_space<hbm>> -> memref<1000000x128xf32, #tpu.memory_space<hbm>>
        tpu.enqueue_indirect_dma source(%dma_start3A_129 : memref<1000000x128xf32, #tpu.memory_space<hbm>>) target(%dma_start3A_123 : memref<50x128xf32, #tpu.memory_space<vmem>>) offsets(%dma_start3A_126 : memref<50xi32, #tpu.memory_space<vmem>>) semaphore(%arg9 : memref<!tpu.dma_semaphore, #tpu.memory_space<semaphore_mem>>)
        %mul3A_130 = arith.constant 4 : i32
        %mul3A_131 = arith.muli %scan3A_77, %mul3A_130 : i32
        %add3A_132 = arith.constant 3 : i32
        %add3A_133 = arith.addi %mul3A_131, %add3A_132 : i32
        %dma_start3A_134 = arith.constant 3 : i32
        %dma_start3A_135 = arith.constant 0 : i32
        %dma_start3A_136 = arith.constant 0 : i32
        %dma_start3A_137 = tpu.memref_slice %arg8[%rem3A_78, %dma_start3A_134, %dma_start3A_135, %dma_start3A_136] : memref<3x4x50x128xf32, #tpu.memory_space<vmem>> -> memref<1x1x50x128xf32, #tpu.memory_space<vmem>>
        %dma_start3A_138 = tpu.memref_squeeze %dma_start3A_137 : memref<1x1x50x128xf32, #tpu.memory_space<vmem>> -> memref<50x128xf32, #tpu.memory_space<vmem>>
        %dma_start3A_139 = arith.constant 0 : i32
        %dma_start3A_140 = tpu.memref_slice %arg7[%add3A_133, %dma_start3A_139] : memref<256x128xi32, #tpu.memory_space<vmem>> -> memref<1x50xi32, #tpu.memory_space<vmem>>
        %dma_start3A_141 = tpu.memref_squeeze %dma_start3A_140 : memref<1x50xi32, #tpu.memory_space<vmem>> -> memref<50xi32, #tpu.memory_space<vmem>>
        %dma_start3A_142 = arith.constant 0 : i32
        %dma_start3A_143 = arith.constant 0 : i32
        %dma_start3A_144 = tpu.memref_slice %arg4[%dma_start3A_142, %dma_start3A_143] : memref<1000000x128xf32, #tpu.memory_space<hbm>> -> memref<1000000x128xf32, #tpu.memory_space<hbm>>
        tpu.enqueue_indirect_dma source(%dma_start3A_144 : memref<1000000x128xf32, #tpu.memory_space<hbm>>) target(%dma_start3A_138 : memref<50x128xf32, #tpu.memory_space<vmem>>) offsets(%dma_start3A_141 : memref<50xi32, #tpu.memory_space<vmem>>) semaphore(%arg9 : memref<!tpu.dma_semaphore, #tpu.memory_space<semaphore_mem>>)
        %dma_wait3A_145 = arith.constant 0 : i32
        %dma_wait3A_146 = arith.constant 0 : i32
        %dma_wait3A_147 = arith.constant 0 : i32
        %dma_wait3A_148 = tpu.memref_slice %arg8[%rem3A_78, %dma_wait3A_145, %dma_wait3A_146, %dma_wait3A_147] : memref<3x4x50x128xf32, #tpu.memory_space<vmem>> -> memref<1x1x50x128xf32, #tpu.memory_space<vmem>>
        %dma_wait3A_149 = tpu.memref_squeeze %dma_wait3A_148 : memref<1x1x50x128xf32, #tpu.memory_space<vmem>> -> memref<50x128xf32, #tpu.memory_space<vmem>>
        %dma_wait3A_150 = arith.constant 0 : i32
        %dma_wait3A_151 = tpu.memref_slice %arg7[%add3A_89, %dma_wait3A_150] : memref<256x128xi32, #tpu.memory_space<vmem>> -> memref<1x50xi32, #tpu.memory_space<vmem>>
        %dma_wait3A_152 = tpu.memref_squeeze %dma_wait3A_151 : memref<1x50xi32, #tpu.memory_space<vmem>> -> memref<50xi32, #tpu.memory_space<vmem>>
        %dma_wait3A_153 = arith.constant 0 : i32
        %dma_wait3A_154 = arith.constant 0 : i32
        %dma_wait3A_155 = tpu.memref_slice %arg4[%dma_wait3A_153, %dma_wait3A_154] : memref<1000000x128xf32, #tpu.memory_space<hbm>> -> memref<1000000x128xf32, #tpu.memory_space<hbm>>
        tpu.wait_indirect_dma semaphore(%arg9 : memref<!tpu.dma_semaphore, #tpu.memory_space<semaphore_mem>>) src(%dma_wait3A_155 : memref<1000000x128xf32, #tpu.memory_space<hbm>>) dst(%dma_wait3A_149 : memref<50x128xf32, #tpu.memory_space<vmem>>)
        %dma_wait3A_156 = arith.constant 1 : i32
        %dma_wait3A_157 = arith.constant 0 : i32
        %dma_wait3A_158 = arith.constant 0 : i32
        %dma_wait3A_159 = tpu.memref_slice %arg8[%rem3A_78, %dma_wait3A_156, %dma_wait3A_157, %dma_wait3A_158] : memref<3x4x50x128xf32, #tpu.memory_space<vmem>> -> memref<1x1x50x128xf32, #tpu.memory_space<vmem>>
        %dma_wait3A_160 = tpu.memref_squeeze %dma_wait3A_159 : memref<1x1x50x128xf32, #tpu.memory_space<vmem>> -> memref<50x128xf32, #tpu.memory_space<vmem>>
        %dma_wait3A_161 = arith.constant 0 : i32
        %dma_wait3A_162 = tpu.memref_slice %arg7[%add3A_103, %dma_wait3A_161] : memref<256x128xi32, #tpu.memory_space<vmem>> -> memref<1x50xi32, #tpu.memory_space<vmem>>
        %dma_wait3A_163 = tpu.memref_squeeze %dma_wait3A_162 : memref<1x50xi32, #tpu.memory_space<vmem>> -> memref<50xi32, #tpu.memory_space<vmem>>
        %dma_wait3A_164 = arith.constant 0 : i32
        %dma_wait3A_165 = arith.constant 0 : i32
        %dma_wait3A_166 = tpu.memref_slice %arg4[%dma_wait3A_164, %dma_wait3A_165] : memref<1000000x128xf32, #tpu.memory_space<hbm>> -> memref<1000000x128xf32, #tpu.memory_space<hbm>>
        tpu.wait_indirect_dma semaphore(%arg9 : memref<!tpu.dma_semaphore, #tpu.memory_space<semaphore_mem>>) src(%dma_wait3A_166 : memref<1000000x128xf32, #tpu.memory_space<hbm>>) dst(%dma_wait3A_160 : memref<50x128xf32, #tpu.memory_space<vmem>>)
        %dma_wait3A_167 = arith.constant 2 : i32
        %dma_wait3A_168 = arith.constant 0 : i32
        %dma_wait3A_169 = arith.constant 0 : i32
        %dma_wait3A_170 = tpu.memref_slice %arg8[%rem3A_78, %dma_wait3A_167, %dma_wait3A_168, %dma_wait3A_169] : memref<3x4x50x128xf32, #tpu.memory_space<vmem>> -> memref<1x1x50x128xf32, #tpu.memory_space<vmem>>
        %dma_wait3A_171 = tpu.memref_squeeze %dma_wait3A_170 : memref<1x1x50x128xf32, #tpu.memory_space<vmem>> -> memref<50x128xf32, #tpu.memory_space<vmem>>
        %dma_wait3A_172 = arith.constant 0 : i32
        %dma_wait3A_173 = tpu.memref_slice %arg7[%add3A_118, %dma_wait3A_172] : memref<256x128xi32, #tpu.memory_space<vmem>> -> memref<1x50xi32, #tpu.memory_space<vmem>>
        %dma_wait3A_174 = tpu.memref_squeeze %dma_wait3A_173 : memref<1x50xi32, #tpu.memory_space<vmem>> -> memref<50xi32, #tpu.memory_space<vmem>>
        %dma_wait3A_175 = arith.constant 0 : i32
        %dma_wait3A_176 = arith.constant 0 : i32
        %dma_wait3A_177 = tpu.memref_slice %arg4[%dma_wait3A_175, %dma_wait3A_176] : memref<1000000x128xf32, #tpu.memory_space<hbm>> -> memref<1000000x128xf32, #tpu.memory_space<hbm>>
        tpu.wait_indirect_dma semaphore(%arg9 : memref<!tpu.dma_semaphore, #tpu.memory_space<semaphore_mem>>) src(%dma_wait3A_177 : memref<1000000x128xf32, #tpu.memory_space<hbm>>) dst(%dma_wait3A_171 : memref<50x128xf32, #tpu.memory_space<vmem>>)
        %dma_wait3A_178 = arith.constant 3 : i32
        %dma_wait3A_179 = arith.constant 0 : i32
        %dma_wait3A_180 = arith.constant 0 : i32
        %dma_wait3A_181 = tpu.memref_slice %arg8[%rem3A_78, %dma_wait3A_178, %dma_wait3A_179, %dma_wait3A_180] : memref<3x4x50x128xf32, #tpu.memory_space<vmem>> -> memref<1x1x50x128xf32, #tpu.memory_space<vmem>>
        %dma_wait3A_182 = tpu.memref_squeeze %dma_wait3A_181 : memref<1x1x50x128xf32, #tpu.memory_space<vmem>> -> memref<50x128xf32, #tpu.memory_space<vmem>>
        %dma_wait3A_183 = arith.constant 0 : i32
        %dma_wait3A_184 = tpu.memref_slice %arg7[%add3A_133, %dma_wait3A_183] : memref<256x128xi32, #tpu.memory_space<vmem>> -> memref<1x50xi32, #tpu.memory_space<vmem>>
        %dma_wait3A_185 = tpu.memref_squeeze %dma_wait3A_184 : memref<1x50xi32, #tpu.memory_space<vmem>> -> memref<50xi32, #tpu.memory_space<vmem>>
        %dma_wait3A_186 = arith.constant 0 : i32
        %dma_wait3A_187 = arith.constant 0 : i32
        %dma_wait3A_188 = tpu.memref_slice %arg4[%dma_wait3A_186, %dma_wait3A_187] : memref<1000000x128xf32, #tpu.memory_space<hbm>> -> memref<1000000x128xf32, #tpu.memory_space<hbm>>
        tpu.wait_indirect_dma semaphore(%arg9 : memref<!tpu.dma_semaphore, #tpu.memory_space<semaphore_mem>>) src(%dma_wait3A_188 : memref<1000000x128xf32, #tpu.memory_space<hbm>>) dst(%dma_wait3A_182 : memref<50x128xf32, #tpu.memory_space<vmem>>)
        %dma_start3A_189 = arith.constant 0 : i32
        %dma_start3A_190 = arith.constant 0 : i32
        %dma_start3A_191 = arith.constant 0 : i32
        %dma_start3A_192 = tpu.memref_slice %arg8[%rem3A_78, %dma_start3A_189, %dma_start3A_190, %dma_start3A_191] : memref<3x4x50x128xf32, #tpu.memory_space<vmem>> -> memref<1x4x50x128xf32, #tpu.memory_space<vmem>>
        %dma_start3A_193 = tpu.memref_squeeze %dma_start3A_192 : memref<1x4x50x128xf32, #tpu.memory_space<vmem>> -> memref<4x50x128xf32, #tpu.memory_space<vmem>>
        %dma_start3A_194 = arith.constant 0 : i32
        %dma_start3A_195 = arith.constant 0 : i32
        %dma_start3A_196 = tpu.memref_slice %arg6[%add3A_81, %dma_start3A_194, %dma_start3A_195] : memref<4096x50x128xf32, #tpu.memory_space<hbm>> -> memref<4x50x128xf32, #tpu.memory_space<hbm>>
        %dma_start3A_197 = tpu.memref_slice %arg10[%rem3A_78] : memref<3x!tpu.dma_semaphore, #tpu.memory_space<semaphore_mem>> -> memref<1x!tpu.dma_semaphore, #tpu.memory_space<semaphore_mem>>
        %dma_start3A_198 = tpu.memref_squeeze %dma_start3A_197 : memref<1x!tpu.dma_semaphore, #tpu.memory_space<semaphore_mem>> -> memref<!tpu.dma_semaphore, #tpu.memory_space<semaphore_mem>>
        %dma_start3A_199 = arith.constant 0 : i32
        %dma_start3A_200 = arith.constant 0 : i32
        %dma_start3A_201 = tpu.memref_slice %arg6[%add3A_81, %dma_start3A_199, %dma_start3A_200] : memref<4096x50x128xf32, #tpu.memory_space<hbm>> -> memref<4x50x128xf32, #tpu.memory_space<hbm>>
        %dma_start3A_202 = arith.constant 0 : i32
        %dma_start3A_203 = arith.constant 0 : i32
        %dma_start3A_204 = arith.constant 0 : i32
        %dma_start3A_205 = tpu.memref_slice %arg8[%rem3A_78, %dma_start3A_202, %dma_start3A_203, %dma_start3A_204] : memref<3x4x50x128xf32, #tpu.memory_space<vmem>> -> memref<1x4x50x128xf32, #tpu.memory_space<vmem>>
        %dma_start3A_206 = tpu.memref_squeeze %dma_start3A_205 : memref<1x4x50x128xf32, #tpu.memory_space<vmem>> -> memref<4x50x128xf32, #tpu.memory_space<vmem>>
        tpu.enqueue_dma source(%dma_start3A_206 : memref<4x50x128xf32, #tpu.memory_space<vmem>>) target(%dma_start3A_201 : memref<4x50x128xf32, #tpu.memory_space<hbm>>) target_semaphore(%dma_start3A_198 : memref<!tpu.dma_semaphore, #tpu.memory_space<semaphore_mem>>)
      }
      %scan3A_12 = arith.constant 64 : i32
      %add3A = arith.constant 244 : i32
      %add3A_13 = arith.addi %mul3A_0, %add3A : i32
      %dma_wait3A = arith.constant 1 : i32
      %dma_wait3A_14 = arith.constant 1 : i32
      %dma_wait3A_15 = arith.constant 0 : i32
      %dma_wait3A_16 = arith.constant 0 : i32
      %dma_wait3A_17 = arith.constant 0 : i32
      %dma_wait3A_18 = tpu.memref_slice %arg8[%dma_wait3A, %dma_wait3A_15, %dma_wait3A_16, %dma_wait3A_17] : memref<3x4x50x128xf32, #tpu.memory_space<vmem>> -> memref<1x4x50x128xf32, #tpu.memory_space<vmem>>
      %dma_wait3A_19 = tpu.memref_squeeze %dma_wait3A_18 : memref<1x4x50x128xf32, #tpu.memory_space<vmem>> -> memref<4x50x128xf32, #tpu.memory_space<vmem>>
      %dma_wait3A_20 = arith.constant 0 : i32
      %dma_wait3A_21 = arith.constant 0 : i32
      %dma_wait3A_22 = tpu.memref_slice %arg6[%add3A_13, %dma_wait3A_20, %dma_wait3A_21] : memref<4096x50x128xf32, #tpu.memory_space<hbm>> -> memref<4x50x128xf32, #tpu.memory_space<hbm>>
      %dma_wait3A_23 = tpu.memref_slice %arg10[%dma_wait3A_14] : memref<3x!tpu.dma_semaphore, #tpu.memory_space<semaphore_mem>> -> memref<1x!tpu.dma_semaphore, #tpu.memory_space<semaphore_mem>>
      %dma_wait3A_24 = tpu.memref_squeeze %dma_wait3A_23 : memref<1x!tpu.dma_semaphore, #tpu.memory_space<semaphore_mem>> -> memref<!tpu.dma_semaphore, #tpu.memory_space<semaphore_mem>>
      %dma_wait3A_25 = arith.constant 0 : i32
      %dma_wait3A_26 = arith.constant 0 : i32
      %dma_wait3A_27 = tpu.memref_slice %arg6[%add3A_13, %dma_wait3A_25, %dma_wait3A_26] : memref<4096x50x128xf32, #tpu.memory_space<hbm>> -> memref<4x50x128xf32, #tpu.memory_space<hbm>>
      %dma_wait3A_28 = arith.constant 0 : i32
      %dma_wait3A_29 = arith.constant 0 : i32
      %dma_wait3A_30 = arith.constant 0 : i32
      %dma_wait3A_31 = tpu.memref_slice %arg8[%dma_wait3A, %dma_wait3A_28, %dma_wait3A_29, %dma_wait3A_30] : memref<3x4x50x128xf32, #tpu.memory_space<vmem>> -> memref<1x4x50x128xf32, #tpu.memory_space<vmem>>
      %dma_wait3A_32 = tpu.memref_squeeze %dma_wait3A_31 : memref<1x4x50x128xf32, #tpu.memory_space<vmem>> -> memref<4x50x128xf32, #tpu.memory_space<vmem>>
      tpu.wait_dma2 semaphore(%dma_wait3A_24 : memref<!tpu.dma_semaphore, #tpu.memory_space<semaphore_mem>>) src(%dma_wait3A_32 : memref<4x50x128xf32, #tpu.memory_space<vmem>>) dst(%dma_wait3A_27 : memref<4x50x128xf32, #tpu.memory_space<hbm>>)
      %add3A_33 = arith.constant 248 : i32
      %add3A_34 = arith.addi %mul3A_0, %add3A_33 : i32
      %dma_wait3A_35 = arith.constant 2 : i32
      %dma_wait3A_36 = arith.constant 2 : i32
      %dma_wait3A_37 = arith.constant 0 : i32
      %dma_wait3A_38 = arith.constant 0 : i32
      %dma_wait3A_39 = arith.constant 0 : i32
      %dma_wait3A_40 = tpu.memref_slice %arg8[%dma_wait3A_35, %dma_wait3A_37, %dma_wait3A_38, %dma_wait3A_39] : memref<3x4x50x128xf32, #tpu.memory_space<vmem>> -> memref<1x4x50x128xf32, #tpu.memory_space<vmem>>
      %dma_wait3A_41 = tpu.memref_squeeze %dma_wait3A_40 : memref<1x4x50x128xf32, #tpu.memory_space<vmem>> -> memref<4x50x128xf32, #tpu.memory_space<vmem>>
      %dma_wait3A_42 = arith.constant 0 : i32
      %dma_wait3A_43 = arith.constant 0 : i32
      %dma_wait3A_44 = tpu.memref_slice %arg6[%add3A_34, %dma_wait3A_42, %dma_wait3A_43] : memref<4096x50x128xf32, #tpu.memory_space<hbm>> -> memref<4x50x128xf32, #tpu.memory_space<hbm>>
      %dma_wait3A_45 = tpu.memref_slice %arg10[%dma_wait3A_36] : memref<3x!tpu.dma_semaphore, #tpu.memory_space<semaphore_mem>> -> memref<1x!tpu.dma_semaphore, #tpu.memory_space<semaphore_mem>>
      %dma_wait3A_46 = tpu.memref_squeeze %dma_wait3A_45 : memref<1x!tpu.dma_semaphore, #tpu.memory_space<semaphore_mem>> -> memref<!tpu.dma_semaphore, #tpu.memory_space<semaphore_mem>>
      %dma_wait3A_47 = arith.constant 0 : i32
      %dma_wait3A_48 = arith.constant 0 : i32
      %dma_wait3A_49 = tpu.memref_slice %arg6[%add3A_34, %dma_wait3A_47, %dma_wait3A_48] : memref<4096x50x128xf32, #tpu.memory_space<hbm>> -> memref<4x50x128xf32, #tpu.memory_space<hbm>>
      %dma_wait3A_50 = arith.constant 0 : i32
      %dma_wait3A_51 = arith.constant 0 : i32
      %dma_wait3A_52 = arith.constant 0 : i32
      %dma_wait3A_53 = tpu.memref_slice %arg8[%dma_wait3A_35, %dma_wait3A_50, %dma_wait3A_51, %dma_wait3A_52] : memref<3x4x50x128xf32, #tpu.memory_space<vmem>> -> memref<1x4x50x128xf32, #tpu.memory_space<vmem>>
      %dma_wait3A_54 = tpu.memref_squeeze %dma_wait3A_53 : memref<1x4x50x128xf32, #tpu.memory_space<vmem>> -> memref<4x50x128xf32, #tpu.memory_space<vmem>>
      tpu.wait_dma2 semaphore(%dma_wait3A_46 : memref<!tpu.dma_semaphore, #tpu.memory_space<semaphore_mem>>) src(%dma_wait3A_54 : memref<4x50x128xf32, #tpu.memory_space<vmem>>) dst(%dma_wait3A_49 : memref<4x50x128xf32, #tpu.memory_space<hbm>>)
      %add3A_55 = arith.constant 252 : i32
      %add3A_56 = arith.addi %mul3A_0, %add3A_55 : i32
      %dma_wait3A_57 = arith.constant 0 : i32
      %dma_wait3A_58 = arith.constant 0 : i32
      %dma_wait3A_59 = arith.constant 0 : i32
      %dma_wait3A_60 = arith.constant 0 : i32
      %dma_wait3A_61 = arith.constant 0 : i32
      %dma_wait3A_62 = tpu.memref_slice %arg8[%dma_wait3A_57, %dma_wait3A_59, %dma_wait3A_60, %dma_wait3A_61] : memref<3x4x50x128xf32, #tpu.memory_space<vmem>> -> memref<1x4x50x128xf32, #tpu.memory_space<vmem>>
      %dma_wait3A_63 = tpu.memref_squeeze %dma_wait3A_62 : memref<1x4x50x128xf32, #tpu.memory_space<vmem>> -> memref<4x50x128xf32, #tpu.memory_space<vmem>>
      %dma_wait3A_64 = arith.constant 0 : i32
      %dma_wait3A_65 = arith.constant 0 : i32
      %dma_wait3A_66 = tpu.memref_slice %arg6[%add3A_56, %dma_wait3A_64, %dma_wait3A_65] : memref<4096x50x128xf32, #tpu.memory_space<hbm>> -> memref<4x50x128xf32, #tpu.memory_space<hbm>>
      %dma_wait3A_67 = tpu.memref_slice %arg10[%dma_wait3A_58] : memref<3x!tpu.dma_semaphore, #tpu.memory_space<semaphore_mem>> -> memref<1x!tpu.dma_semaphore, #tpu.memory_space<semaphore_mem>>
      %dma_wait3A_68 = tpu.memref_squeeze %dma_wait3A_67 : memref<1x!tpu.dma_semaphore, #tpu.memory_space<semaphore_mem>> -> memref<!tpu.dma_semaphore, #tpu.memory_space<semaphore_mem>>
      %dma_wait3A_69 = arith.constant 0 : i32
      %dma_wait3A_70 = arith.constant 0 : i32
      %dma_wait3A_71 = tpu.memref_slice %arg6[%add3A_56, %dma_wait3A_69, %dma_wait3A_70] : memref<4096x50x128xf32, #tpu.memory_space<hbm>> -> memref<4x50x128xf32, #tpu.memory_space<hbm>>
      %dma_wait3A_72 = arith.constant 0 : i32
      %dma_wait3A_73 = arith.constant 0 : i32
      %dma_wait3A_74 = arith.constant 0 : i32
      %dma_wait3A_75 = tpu.memref_slice %arg8[%dma_wait3A_57, %dma_wait3A_72, %dma_wait3A_73, %dma_wait3A_74] : memref<3x4x50x128xf32, #tpu.memory_space<vmem>> -> memref<1x4x50x128xf32, #tpu.memory_space<vmem>>
      %dma_wait3A_76 = tpu.memref_squeeze %dma_wait3A_75 : memref<1x4x50x128xf32, #tpu.memory_space<vmem>> -> memref<4x50x128xf32, #tpu.memory_space<vmem>>
      tpu.wait_dma2 semaphore(%dma_wait3A_68 : memref<!tpu.dma_semaphore, #tpu.memory_space<semaphore_mem>>) src(%dma_wait3A_76 : memref<4x50x128xf32, #tpu.memory_space<vmem>>) dst(%dma_wait3A_71 : memref<4x50x128xf32, #tpu.memory_space<hbm>>)
    } else {
    }
    return
  }
}

module attributes {stable_mosaic.version = 14 : i64} {
  func.func @_proj_body(%arg0: i32, %arg1: memref<1000x8x64xf32, #tpu.memory_space<vmem>>, %arg2: memref<128x64xf32, #tpu.memory_space<vmem>>, %arg3: memref<1x128xf32, #tpu.memory_space<vmem>>, %arg4: memref<8000x128xf32, #tpu.memory_space<vmem>>) attributes {dimension_semantics = [#tpu.dimension_semantics<arbitrary>], iteration_bounds = array<i64: 125>, scalar_prefetch = 0 : i64, scratch_operands = 0 : i64, tpu.core_type = #tpu.core_type<tc>, window_params = [{transform_indices = @transform_0, window_bounds = array<i64: 1000, 8, 64>}, {pipeline_mode = #tpu.pipeline_mode<synchronous>, transform_indices = @transform_1, window_bounds = array<i64: 128, 64>}, {pipeline_mode = #tpu.pipeline_mode<synchronous>, transform_indices = @transform_2, window_bounds = array<i64: 1, 128>}, {transform_indices = @transform_3, window_bounds = array<i64: 8000, 128>}]} {
    %get3A = arith.constant 0 : index
    %get3A_0 = arith.constant 0 : index
    %get3A_1 = arith.constant 0 : index
    %get3A_2 = vector.load %arg1[%get3A, %get3A_0, %get3A_1] : memref<1000x8x64xf32, #tpu.memory_space<vmem>>, vector<1000x8x64xf32>
    %reshape3A = vector.shape_cast %get3A_2 : vector<1000x8x64xf32> to vector<8000x64xf32>
    %convert_element_type3A = arith.truncf %reshape3A : vector<8000x64xf32> to vector<8000x64xbf16>
    %get3A_3 = arith.constant 0 : index
    %get3A_4 = arith.constant 0 : index
    %get3A_5 = vector.load %arg2[%get3A_3, %get3A_4] : memref<128x64xf32, #tpu.memory_space<vmem>>, vector<128x64xf32>
    %convert_element_type3A_6 = arith.truncf %get3A_5 : vector<128x64xf32> to vector<128x64xbf16>
    %dot_general3A = arith.constant dense<0.000000e+00> : vector<8000x128xf32>
    %dot_general3A_7 = tpu.matmul %convert_element_type3A, %convert_element_type3A_6, %dot_general3A {dimension_numbers = #tpu.dot_dimension_numbers<[1], [1], [0], [0], [0, 0, 1, 0], [], []>, transpose_lhs_hint = false} : vector<8000x64xbf16>, vector<128x64xbf16>, vector<8000x128xf32> -> vector<8000x128xf32>
    %get3A_8 = arith.constant 0 : index
    %get3A_9 = arith.constant 0 : index
    %get3A_10 = vector.load %arg3[%get3A_8, %get3A_9] : memref<1x128xf32, #tpu.memory_space<vmem>>, vector<1x128xf32>
    %add3A = vector.broadcast %get3A_10 : vector<1x128xf32> to vector<8000x128xf32>
    %add3A_11 = arith.addf %dot_general3A_7, %add3A : vector<8000x128xf32>
    %swap3A = arith.constant 0 : index
    %swap3A_12 = arith.constant 0 : index
    %swap3A_13 = vector.load %arg4[%swap3A, %swap3A_12] : memref<8000x128xf32, #tpu.memory_space<vmem>>, vector<8000x128xf32>
    tpu.vector_store %arg4[%swap3A, %swap3A_12], %add3A_11 {strides = array<i32>} : memref<8000x128xf32, #tpu.memory_space<vmem>>, vector<8000x128xf32>,
    return
  }
  func.func @transform_0(%arg0: i32) -> (i32, i32, i32) {
    %c0_i32 = arith.constant 0 : i32
    %c0_i32_0 = arith.constant 0 : i32
    %c0_i32_1 = arith.constant 0 : i32
    return %arg0, %c0_i32, %c0_i32_0 : i32, i32, i32
  }
  func.func @transform_1(%arg0: i32) -> (i32, i32) {
    %c0_i32 = arith.constant 0 : i32
    %c0_i32_0 = arith.constant 0 : i32
    %c0_i32_1 = arith.constant 0 : i32
    return %c0_i32, %c0_i32_0 : i32, i32
  }
  func.func @transform_2(%arg0: i32) -> (i32, i32) {
    %c0_i32 = arith.constant 0 : i32
    %c0_i32_0 = arith.constant 0 : i32
    %c0_i32_1 = arith.constant 0 : i32
    return %c0_i32, %c0_i32_0 : i32, i32
  }
  func.func @transform_3(%arg0: i32) -> (i32, i32) {
    %c0_i32 = arith.constant 0 : i32
    %c0_i32_0 = arith.constant 0 : i32
    return %arg0, %c0_i32 : i32, i32
  }
}

</mosaic_0001>

<sc_bundles>
// kernel: kernel.4.cloned.1.call-start
scs
__scs_entry_jumppad:
0x0: {  	(pc) =	sbr.rel $0x88, $3  }
0x1: {  	(tag) =	ssettag $0x0;
	lr =	simm.s32 $0x1  }
0x2: {  	[smem:$0x3F9C] =	sst lr;
	_ =	strace $0xD0000000  }
0x3: {  	_ = 	snop  }
0x4: {  	_ = 	snop  }
0x5: {  	_ = 	snop  }
0x6: {  	_ = 	snop  }
0x7: {  	_ = 	snop  }
__scs_overlays_trampoline_lowered:
0x8: {  	[smem:$0x3FAB] =	sst s0  }
0x9: {  	[smem:$0x3FAC] =	sst s1  }
0xa: {  	[smem:$0x3FAD] =	sst s2  }
0xb: {  	[smem:$0x3FAE] =	sst s3  }
0xc: {  	[smem:$0x3FAF] =	sst s4  }
0xd: {  	[smem:$0x3FB0] =	sst s5  }
0xe: {  	[smem:$0x3FB1] =	sst s6  }
0xf: {  	[smem:$0x3FB2] =	sst s7  }
0x10: {  	[smem:$0x3FB3] =	sst s8  }
0x11: {  	[smem:$0x3FB4] =	sst s9;
	s0 =	simm.s32 @!p0 $0x0  }
0x12: {  	s1 =	sld [smem:$0x3F9A];
	s0 =	simm.s32 @p0 $0x1  }
0x13: {  	[smem:$0x3FB5] =	sst s0;
	s0 =	simm.s32 @!p1 $0x0  }
0x14: {  	s2 =	sld [smem:$0x3F99];
	s0 =	simm.s32 @p1 $0x1  }
0x15: {  	[smem:$0x3FB6] =	sst s0;
	s0 =	simm.s32 @!p2 $0x0  }
0x16: {  	s3 =	sld [smem:$0x3FDB];
	s0 =	simm.s32 @p2 $0x1  }
0x17: {  	s4 =	simm.s32 $0x1BF5;
	[smem:$0x3FB8] =	sst s0  }
0x18: {  	s0 =	sld [smem:$0x3F9B];
	_ =	swait.ge [sflag:s4], $0x0  }
0x19: {  	s7 =	sld [smem:$0x3F9C]  }
0x1a: {  	s8 =	sadd.s32 $0xFFFFE003, lr  }
0x1b: {  	s9 =	sadd.s32 $0xFFFFFEF7, lr;
	s5 =	simm.s32 $0xFFFFFFFF;
	p2 =	slt.u32 s8, $0xFFFFF086  }
0x1c: {  	p1 =	slt.u32 s9, $0xF7A;
	s5 =	simm.s32 @!p2 $0x0  }
0x1d: {  	s5 =	simm.s32 @p1 $0x1;
	p0 =	seq.s32 s7, s2  }
0x1e: {  	s7 =	smul.u32 @!p0 $0xF7A, s2;
	p2 =	seq.s32 @!p0 s5, $0x0  }
0x1f: {  	s9 =	smul.u32 $0xF7A, s1;
	s8 =	simm.s32 @!p0 $0x1BF5;
	p2 =	por !p2, p0  }
0x20: {  	[sflag:s8] =	ssyncset.s32 @!p0 $0xFFFFF086;
	s6 =	sadd.s32 @!p0 s3, s7;
	s7 =	simm.s32 @!p0 $0x108  }
0x21: {  	s3 =	sadd.s32 s3, s9;
	s6 =	sadd.s32 @!p0 $0x88, s6;
	s7 =	simm.s32 @p2 $0x1082  }
0x22: {  	[simem:s7], [sflag:s8] =	dma.local @!p0 [hbm:s6], $0xF7A  }
0x23: {  	s9 =	sor.u32 $0xD0000000, s2;
	s6 =	simm.s32 $0x108;
	_ =	swait.ge @!p0 [sflag:s8], $0x0  }
0x24: {  	s3 =	sadd.s32 $0x88, s3;
	s6 =	simm.s32 @!p1 $0x1082;
	[sflag:s4] =	ssyncset.s32 $0xFFFFF086  }
0x25: {  	[simem:s6], [sflag:s4] =	dma.local [hbm:s3], $0xF7A  }
0x26: {  	[smem:$0x3F9C] =	sst s1;
	(tag) =	ssettag s2;
	_ =	strace s9  }
0x27: {  	s1 =	sld [smem:$0x3FAC]  }
0x28: {  	s2 =	sld [smem:$0x3FAD]  }
0x29: {  	s4 =	sld [smem:$0x3FAF]  }
0x2a: {  	p0 =	seq.s32 s5, $0x0;
	s5 =	sld [smem:$0x3FB0]  }
0x2b: {  	s6 =	sld [smem:$0x3FB1]  }
0x2c: {  	s7 =	sld [smem:$0x3FB2]  }
0x2d: {  	s3 =	simm.s32 $0x108;
	s8 =	sld [smem:$0x3FB3]  }
0x2e: {  	s3 =	simm.s32 @!p0 $0x1082;
	s9 =	sld [smem:$0x3FB4]  }
0x2f: {  	lr =	sadd.s32 s0, s3;
	s0 =	sld [smem:$0x3FAB]  }
0x30: {  	s3 =	sld [smem:$0x3FAE]  }
0x31: {  	[smem:$0x3FB7] =	sst s10  }
0x32: {  	s10 =	sld [smem:$0x3FB5];
	_ =	sdelay $0x3  }
0x33: {  	p0 =	seq.s32 s10, $0x1;
	s10 =	sld [smem:$0x3FB7];
	_ =	sdelay $0x3  }
0x34: {  	[smem:$0x3FB7] =	sst s10  }
0x35: {  	s10 =	sld [smem:$0x3FB6];
	_ =	sdelay $0x3  }
0x36: {  	p1 =	seq.s32 s10, $0x1;
	s10 =	sld [smem:$0x3FB7];
	_ =	sdelay $0x3  }
0x37: {  	[smem:$0x3FB7] =	sst s10  }
0x38: {  	s10 =	sld [smem:$0x3FB8]  }
0x39: {  	_ = 	snop;
	(pc) =	sbr.ind lr, $3  }
0x3a: {  	_ = 	snop  }
0x3b: {  	_ = 	snop  }
0x3c: {  	p2 =	seq.s32 s10, $0x1;
	s10 =	sld [smem:$0x3FB7]  }
0x3d: {  	_ =	shalt  }
0x3e: {  	_ =	shalt  }
0x3f: {  	_ =	shalt  }
0x40: {  	_ =	shalt  }
0x41: {  	_ =	shalt  }
0x42: {  	_ =	shalt  }
0x43: {  	_ =	shalt  }
0x44: {  	_ =	shalt  }
0x45: {  	_ =	shalt  }
0x46: {  	_ =	shalt  }
0x47: {  	_ =	shalt  }
0x48: {  	_ =	shalt  }
0x49: {  	_ =	shalt  }
0x4a: {  	_ =	shalt  }
0x4b: {  	_ =	shalt  }
0x4c: {  	_ =	shalt  }
0x4d: {  	_ =	shalt  }
0x4e: {  	_ =	shalt  }
0x4f: {  	_ =	shalt  }
0x50: {  	_ =	shalt  }
0x51: {  	_ =	shalt  }
0x52: {  	_ =	shalt  }
0x53: {  	_ =	shalt  }
0x54: {  	_ =	shalt  }
0x55: {  	_ =	shalt  }
0x56: {  	_ =	shalt  }
0x57: {  	_ =	shalt  }
0x58: {  	_ =	shalt  }
0x59: {  	_ =	shalt  }
0x5a: {  	_ =	shalt  }
0x5b: {  	_ =	shalt  }
0x5c: {  	_ =	shalt  }
0x5d: {  	_ =	shalt  }
0x5e: {  	_ =	shalt  }
0x5f: {  	_ =	shalt  }
0x60: {  	_ =	shalt  }
0x61: {  	_ =	shalt  }
0x62: {  	_ =	shalt  }
0x63: {  	_ =	shalt  }
0x64: {  	_ =	shalt  }
0x65: {  	_ =	shalt  }
0x66: {  	_ =	shalt  }
0x67: {  	_ =	shalt  }
0x68: {  	_ =	shalt  }
0x69: {  	_ =	shalt  }
0x6a: {  	_ =	shalt  }
0x6b: {  	_ =	shalt  }
0x6c: {  	_ =	shalt  }
0x6d: {  	_ =	shalt  }
0x6e: {  	_ =	shalt  }
0x6f: {  	_ =	shalt  }
0x70: {  	_ =	shalt  }
0x71: {  	_ =	shalt  }
0x72: {  	_ =	shalt  }
0x73: {  	_ =	shalt  }
0x74: {  	_ =	shalt  }
0x75: {  	_ =	shalt  }
0x76: {  	_ =	shalt  }
0x77: {  	_ =	shalt  }
0x78: {  	_ =	shalt  }
0x79: {  	_ =	shalt  }
0x7a: {  	_ =	shalt  }
0x7b: {  	_ =	shalt  }
0x7c: {  	_ =	shalt  }
0x7d: {  	_ =	shalt  }
0x7e: {  	_ =	shalt  }
0x7f: {  	_ =	shalt  }
0x80: {  	_ =	shalt  }
0x81: {  	_ =	shalt  }
0x82: {  	_ =	shalt  }
0x83: {  	_ =	shalt  }
0x84: {  	_ =	shalt  }
0x85: {  	_ =	shalt  }
0x86: {  	_ =	shalt  }
0x87: {  	_ =	shalt  }
.Lfunc_end0:
.L_simem_size_0:
called_computation_lowered:
.L_overlay_start_0:
0x88: {  	s2 =	sld [smem:$0x3FD9]  }
0x89: {  	s3 =	sld [smem:$0x3FFE];
	_ =	sdelay $0x1  }
0x8a: {  	s1 =	srdreg.scid  }
0x8b: {  	s0 =	sand.u32 $0x1, s1  }
0x8c: {  	s14 =	sshll.u32 s0, $0xA;
	s2 =	sadd.s32 s3, s2  }
0x8d: {  	s2 =	sadd.s32 s2, s14  }
0x8e: {  	[smem:$0x3FC3] =	sst s2  }
0x8f: {  	_ = 	snop  }
0x90: {  	s2 =	sld [smem:$0x3FD0];
	_ =	sdelay $0x2  }
0x91: {  	s15 =	simm.s32 $0xA;
	s4 =	simm.s32 $0x10  }
0x92: {  	[smem:s4], [sflag:s15] =	dma.local [hbm:s2], $0x1  }
0x93: {  	_ =	swait.eq [sflag:s15], $0x1  }
0x94: {  	[sflag:s15] =	ssyncset.done $0x0  }
0x95: {  	s16 =	sld [smem:$0x10];
	[sflag:s15] =	ssyncadd.s32 $0xFFFFFFFF  }
0x96: {  	s17 =	sld [smem:$0x11];
	(tm) =	ssettm $0x1  }
0x97: {  	s18 =	sld [smem:$0x3FFB];
	_ =	sdelay $0x3  }
0x98: {  	_ =	strace s18  }
0x99: {  	s4 =	sld [smem:$0x3FFC];
	_ =	sdelay $0x3  }
0x9a: {  	_ =	strace s4  }
0x9b: {  	s4 =	sld [smem:$0x3FFD];
	_ =	sdelay $0x3  }
0x9c: {  	_ =	strace s4  }
0x9d: {  	_ =	strace $0x8FFFFFFF  }
0x9e: {  	s19 =	sld [smem:$0x3FDB];
	_ =	sdelay $0x1  }
0x9f: {  	s5 =	simm.s32 $_scs_section_size  }
0xa0: {  	s6 =	simm.s32 $_size__tile_overlayer_lowered;
	s7 =	simm.s32 $_tile_overlayer_lowered  }
0xa1: {  	s22 =	simm.s32 $0x1BFF;
	s21 =	sshll.u32 s7, $0x1;
	s4 =	sadd.s32 s5, s19  }
0xa2: {  	s8 =	simm.s32 $0x0;
	s20 =	sshll.u32 s6, $0x1;
	s6 =	sadd.s32 s21, s4  }
0xa3: {  	[timem:s8], [sflag:s22] =	dma.local [hbm:s6], s20  }
0xa4: {  	_ =	swait.ge [sflag:s22], s20  }
0xa5: {  	s5 =	ssub.s32 $0x0, s20;
	[sflag:s22] =	ssyncset.done $0x0  }
0xa6: {  	[sflag:s22] =	ssyncadd.s32 s5;
	_ =	sdelay $0x1  }
0xa7: {  	s23 =	simm.s32 $0x1B8B  }
0xa8: {  	_ =	swait.ge [sflag:s23], $0x1  }
0xa9: {  	[sflag:s23] =	ssyncset.done $0x0  }
0xaa: {  	s25 =	simm.s32 $0x1B8E;
	s24 =	sld [smem:$0x3FFE];
	[sflag:s23] =	ssyncadd.s32 $0xFFFFFFFF  }
0xab: {  	s26 =	simm.s32 $execute0_lowered;
	[smem:$0x3FD2] =	sst s25  }
0xac: {  	s6 =	sshll.u32 s26, $0x1;
	_ =	strace $0x80000046;
	[dreg:$0x1] =	wrdreg $0xFFFFFFFF  }
0xad: {  	s28 =	simm.s32 $_size_execute0_lowered;
	s4 =	sadd.s32 s4, s6;
	[dreg:$0x0] =	wrdreg $0x0  }
0xae: {  	s6 =	sshll.u32 s28, $0x1;
	[dreg:$0x2] =	wrdreg s4  }
0xaf: {  	[dreg:$0x3] =	wrdreg s6  }
0xb0: {  	[dreg:$0x4] =	wrdreg $0xC0  }
0xb1: {  	_ =	task [dreg:s8], $0x5FFFF  }
0xb2: {  	[dreg:$0x1] =	wrdreg $0xFFFFFFFF  }
0xb3: {  	[dreg:$0x0] =	wrdreg $0x60  }
0xb4: {  	[dreg:$0x2] =	wrdreg s17  }
0xb5: {  	[dreg:$0x3] =	wrdreg s16  }
0xb6: {  	[dreg:$0x4] =	wrdreg s24  }
0xb7: {  	[dreg:$0x5] =	wrdreg $0x9  }
0xb8: {  	_ =	task.clear_ibuf [dreg:s8], $0x6FFFF;
	_ =	strace $0x90000046  }
0xb9: {  	s29 =	simm.s32 $0x9;
	_ =	strace $0x80000048  }
0xba: {  	_ =	swait.ge [sflag:s29], $0x1  }
0xbb: {  	[sflag:s29] =	ssyncadd.s32 $0xFFFFFFFF  }
0xbc: {  	_ =	strace $0x90000048  }
0xbd: {  	_ =	sfence  }
0xbe: {  	s30 =	sld [smem:$0x0];
	_ =	sdelay $0x2  }
0xbf: {  	s31 =	sshll.u32 s1, $0xD;
	s1 =	sshrl.u32 s1, $0x2  }
0xc0: {  	s3 =	sand.u32 $0x4000, s31;
	s1 =	sadd.s32 s1, s30  }
0xc1: {  	s0 =	sor.u32 s3, s0;
	s1 =	sshll.u32 s1, $0x11  }
0xc2: {  	s0 =	sor.u32 s1, s0  }
0xc3: {  	s0 =	sadd.s32 $0x8F2B, s0  }
0xc4: {  	[sflag:s0] =	ssyncadd.remote.s32 $0x1  }
0xc5: {  	_ =	sfence.sel $0xFFFF  }
0xc6: {  	[dreg:$0x0] =	wrdreg $0xFFFFFFFF;
	(pc) =	sbr.abs _section_cstart, $3  }
0xc7: {  	[dreg:$0x1] =	wrdreg $0xFFFFFFFF  }
0xc8: {  	_ =	task.clear_ibuf [dreg:s8], $0x2FFFF;
	_ =	strace $0x9FFFFFFF  }
0xc9: {  	(tm) =	ssettm $0x7FFFFFFF  }
tec
execute0_lowered:
.L_overlay_start_1:
0x0: {  	(tag) =	ssettag $0x1  }
0x1: {  	s4 =	rddreg [dreg:$0x0]  }
0x2: {  	s5 =	rddreg [dreg:$0x1]  }
0x3: {  	s6 =	rddreg [dreg:$0x2]  }
0x4: {  	s2 =	simm.s32 $0x0;
	s1 =	stileid.u32;
	s3 =	srdreg.scid  }
0x5: {  	s11 =	simm.s32 $0x1;
	s12 =	simm.s32 $0x3;
	s13 =	simm.s32 $0x4  }
0x6: {  	s14 =	simm.s32 $0x2;
	s15 =	simm.s32 $0x0;
	[smem:$0x7FF] =	sst s2  }
0x7: {  	s7 =	smul.u32 $0x38000, s1;
	s8 =	sand.u32 $0x1, s3;
	s3 =	sadd.s32 $0xF43400, s6  }
.Ltmp0:
0x8: {  	s31 =	sshll.u32 s1, $0xC;
	_ =	strace $0x80000047;
	(pc) =	sbr.rel .LBB2_1-.Ltmp0, $4  }
0x9: {  	s9 =	ssub.s32 $0x2, s8;
	p0 =	seq.s32 s8, $0x1;
	s4 =	sadd.s32 s4, s31  }
0xa: {  	s5 =	sadd.s32 s5, s31;
	s10 =	sadd.s32 s7, s6;
	s30 =	sshrl.u32 s9, $0x1  }
0xb: {  	s6 =	ssub.s32 s9, s30;
	s7 =	sadd.s32 $0x1000, s10;
	s8 =	sadd.s32 $0x381000, s10  }
0xc: {  	s9 =	simm.s32 $0x5;
	s10 =	simm.s32 $0x32;
	s6 =	smax.u32 s6, $0x1  }
.LBB2_7:
0xd: {  	[hbm4b:s25+s2] =	stream.linear.scatter [tilespmem:s22], [sflag:s29], $0x1900, $0x38;
	[tilespmem:$0x1D000] =	vst v63  }
0xe: {  	s0 =	ssub.s32 s20, s30  }
0xf: {  	s21 =	sadd.s32 $0x700, s26;
	p1 =	slt.u32 s20, $0x3;
	s0 =	sand.u32 $0xFF, s0  }
0x10: {  	[hbm4b:s21+s2] =	stream.linear.scatter [tilespmem:s23], [sflag:s29], $0x1900, $0x38;
	[tilespmem:$0x1D000] =	vst v63  }
0x11: {  	s26 =	sadd.s32 $0xA80, s26;
	s21 =	sadd.s32 @!p1 $0x2, s0;
	s28 =	smul.u32 $0x1C000, s0  }
0x12: {  	[hbm4b:s26+s2] =	stream.linear.scatter [tilespmem:s19], [sflag:s29], $0x1900, $0x38;
	[tilespmem:$0x1D000] =	vst v63  }
0x13: {  	_ =	swait.ge @!p1 [sflag:s21], $0x6400  }
0x14: {  	s18 =	sadd.s32 $0x200, s18;
	s30 =	sshrl.u32 s28, $0x2;
	[sflag:s21] =	ssyncset.done @!p1 $0x0  }
0x15: {  	s24 =	sadd.s32 $0xFFFFFE80, s18;
	s31 =	sadd.s32 $0x8000, s30;
	[sflag:s21] =	ssyncadd.s32 @!p1 $0xFFFF9C00  }
0x16: {  	[tilespmem:s31], [sflag:$0x1] =	stream.indirect.gather [hbm4b:s3+s10], $0x80, s24, s10, $0xb8;
	[tilespmem:$0x1D000] =	vst v63  }
0x17: {  	s26 =	sadd.s32 $0xFFFFFF00, s18;
	s25 =	sadd.s32 $0x9C00, s30  }
0x18: {  	[tilespmem:s25], [sflag:$0x1] =	stream.indirect.gather [hbm4b:s3+s10], $0x80, s26, s10, $0xb8;
	[tilespmem:$0x1D000] =	vst v63  }
0x19: {  	s29 =	sadd.s32 $0xFFFFFF80, s18;
	s28 =	sadd.s32 $0xB800, s30  }
0x1a: {  	[tilespmem:s28], [sflag:$0x1] =	stream.indirect.gather [hbm4b:s3+s10], $0x80, s29, s10, $0xb8;
	[tilespmem:$0x1D000] =	vst v63  }
0x1b: {  	s19 =	sadd.s32 $0xD400, s30  }
0x1c: {  	[tilespmem:s19], [sflag:$0x1] =	stream.indirect.gather [hbm4b:s3+s10], $0x80, s18, s10, $0xb8;
	[tilespmem:$0x1D000] =	vst v63  }
0x1d: {  	_ =	swait.ge [sflag:s11], $0x1900  }
0x1e: {  	[sflag:s11] =	ssyncset.done $0x0  }
0x1f: {  	[sflag:s11] =	ssyncadd.s32 $0xFFFFE700  }
0x20: {  	_ =	swait.ge [sflag:s11], $0x1900  }
0x21: {  	[sflag:s11] =	ssyncset.done $0x0  }
0x22: {  	[sflag:s11] =	ssyncadd.s32 $0xFFFFE700  }
0x23: {  	_ =	swait.ge [sflag:s11], $0x1900  }
0x24: {  	[sflag:s11] =	ssyncset.done $0x0  }
0x25: {  	[sflag:s11] =	ssyncadd.s32 $0xFFFFE700  }
0x26: {  	_ =	swait.ge [sflag:s11], $0x1900  }
0x27: {  	[sflag:s11] =	ssyncset.done $0x0  }
0x28: {  	s0 =	sadd.s32 $0x2, s0;
	[sflag:s11] =	ssyncadd.s32 $0xFFFFE700  }
0x29: {  	[hbm4b:s16+s2] =	stream.linear.scatter [tilespmem:s31], [sflag:s0], $0x1900, $0x38;
	[tilespmem:$0x1D000] =	vst v63  }
0x2a: {  	_ = 	snop  }
0x2b: {  	[hbm4b:s17+s2] =	stream.linear.scatter [tilespmem:s25], [sflag:s0], $0x1900, $0x38;
	[tilespmem:$0x1D000] =	vst v63  }
0x2c: {  	s30 =	sadd.s32 $0x700, s16  }
0x2d: {  	[hbm4b:s30+s2] =	stream.linear.scatter [tilespmem:s28], [sflag:s0], $0x1900, $0x38;
	[tilespmem:$0x1D000] =	vst v63  }
0x2e: {  	s31 =	sadd.s32 $0xA80, s16  }
0x2f: {  	[hbm4b:s31+s2] =	stream.linear.scatter [tilespmem:s19], [sflag:s0], $0x1900, $0x38;
	[tilespmem:$0x1D000] =	vst v63  }
.LBB2_8:
0x30: {  	_ =	swait.ge [sflag:s12], $0x6400  }
0x31: {  	[sflag:s12] =	ssyncset.done $0x0  }
0x32: {  	s15 =	sadd.s32 $0x1, s15;
	[sflag:s12] =	ssyncadd.s32 $0xFFFF9C00  }
0x33: {  	p1 =	sne.s32 s15, s6;
	_ =	swait.ge [sflag:s13], $0x6400  }
.Ltmp1:
0x34: {  	[sflag:s13] =	ssyncset.done $0x0;
	(pc) =	sbr.rel @!p1 .LBB2_9-.Ltmp1, $4  }
0x35: {  	[sflag:s13] =	ssyncadd.s32 $0xFFFF9C00  }
0x36: {  	_ =	swait.ge [sflag:s14], $0x6400  }
0x37: {  	[sflag:s14] =	ssyncset.done $0x0  }
0x38: {  	[sflag:s14] =	ssyncadd.s32 $0xFFFF9C00  }
.LBB2_1:
.Ltmp2:
0x39: {  	(pc) =	sbr.rel @!p0 .LBB2_2-.Ltmp2, $1  }
0x3a: {  	_ =	sdelay $0x3  }
0x3b: {  	s0 =	simm.s32 $0x0  }
0x3c: {  	s16 =	smul.u32 $0xAB, s0;
	_ =	sdelay $0x1  }
0x3d: {  	s16 =	sshrl.u32 s16, $0x9  }
0x3e: {  	s16 =	sand.u32 $0x7F, s16  }
0x3f: {  	s16 =	smul.u32 $0x3, s16  }
0x40: {  	[tilespmem:s0], [sflag:$0x5] =	stream.linear.gather [hbm4b:s5+s0], $0x8000, $0x38;
	[tilespmem:$0x1D000] =	vst v63  }
0x41: {  	_ =	swait.ge [sflag:s9], $0x8000;
	s23 =	ssub.s32 $0x0, s16  }
0x42: {  	p1 =	por $0x1, $0x1;
	[sflag:s9] =	ssyncset.done $0x0;
	s0 =	sand.u32 $0xFF, s23  }
0x43: {  	[sflag:s9] =	ssyncadd.s32 $0xFFFF8000;
	s16 =	sadd.s32 @!p1 $0x2, s0;
	s17 =	smul.u32 $0x1C000, s0  }
0x44: {  	_ =	swait.ge @!p1 [sflag:s16], $0x6400  }
0x45: {  	s17 =	sshrl.u32 s17, $0x2;
	[sflag:s16] =	ssyncset.done @!p1 $0x0  }
0x46: {  	s24 =	simm.s32 $0x0;
	s21 =	sadd.s32 $0x8000, s17;
	[sflag:s16] =	ssyncadd.s32 @!p1 $0xFFFF9C00  }
0x47: {  	[tilespmem:s21], [sflag:$0x1] =	stream.indirect.gather [hbm4b:s3+s10], $0x80, s24, s10, $0xb8;
	[tilespmem:$0x1D000] =	vst v63  }
0x48: {  	s25 =	simm.s32 $0x80;
	s22 =	sadd.s32 $0x9C00, s17  }
0x49: {  	[tilespmem:s22], [sflag:$0x1] =	stream.indirect.gather [hbm4b:s3+s10], $0x80, s25, s10, $0xb8;
	[tilespmem:$0x1D000] =	vst v63  }
0x4a: {  	s26 =	simm.s32 $0x100;
	s23 =	sadd.s32 $0xB800, s17  }
0x4b: {  	[tilespmem:s23], [sflag:$0x1] =	stream.indirect.gather [hbm4b:s3+s10], $0x80, s26, s10, $0xb8;
	[tilespmem:$0x1D000] =	vst v63  }
0x4c: {  	s18 =	simm.s32 $0x180;
	s19 =	sadd.s32 $0xD400, s17  }
0x4d: {  	[tilespmem:s19], [sflag:$0x1] =	stream.indirect.gather [hbm4b:s3+s10], $0x80, s18, s10, $0xb8;
	[tilespmem:$0x1D000] =	vst v63  }
0x4e: {  	_ =	swait.ge [sflag:s11], $0x1900  }
0x4f: {  	[sflag:s11] =	ssyncset.done $0x0  }
0x50: {  	[sflag:s11] =	ssyncadd.s32 $0xFFFFE700  }
0x51: {  	_ =	swait.ge [sflag:s11], $0x1900  }
0x52: {  	[sflag:s11] =	ssyncset.done $0x0  }
0x53: {  	[sflag:s11] =	ssyncadd.s32 $0xFFFFE700  }
0x54: {  	s20 =	simm.s32 $0x1;
	_ =	swait.ge [sflag:s11], $0x1900  }
0x55: {  	s28 =	smul.u32 $0xAB, s20;
	[sflag:s11] =	ssyncset.done $0x0  }
0x56: {  	s29 =	sadd.s32 $0x2, s0;
	[sflag:s11] =	ssyncadd.s32 $0xFFFFE700  }
0x57: {  	s16 =	sadd.s32 $0xE00, s8;
	s24 =	sshrl.u32 s28, $0x9;
	_ =	swait.ge [sflag:s11], $0x1900  }
0x58: {  	s17 =	sadd.s32 $0x380, s16;
	s31 =	sand.u32 $0x7F, s24;
	[sflag:s11] =	ssyncset.done $0x0  }
0x59: {  	s24 =	sadd.s32 $0xE00, s16;
	s25 =	sadd.s32 $0x380, s8;
	[sflag:s11] =	ssyncadd.s32 $0xFFFFE700  }
0x5a: {  	[hbm4b:s8+s2] =	stream.linear.scatter [tilespmem:s21], [sflag:s29], $0x1900, $0x38;
	[tilespmem:$0x1D000] =	vst v63  }
0x5b: {  	s30 =	smul.u32 $0x3, s31;
	s26 =	smov.u32 s8;
	s21 =	simm.s32 $0x2  }
.LBB2_6:
0x5c: {  	s0 =	sadd.s32 $0x380, s24  }
0x5d: {  	s18 =	sadd.s32 $0x200, s18;
	s31 =	smov.u32 s21;
	s21 =	sadd.s32 $0x1, s21  }
0x5e: {  	[hbm4b:s25+s2] =	stream.linear.scatter [tilespmem:s22], [sflag:s29], $0x1900, $0x38;
	[tilespmem:$0x1D000] =	vst v63  }
0x5f: {  	p1 =	sne.s32 s21, $0x40;
	s22 =	ssub.s32 s20, s30;
	s25 =	sadd.s32 $0x700, s26  }
0x60: {  	[hbm4b:s25+s2] =	stream.linear.scatter [tilespmem:s23], [sflag:s29], $0x1900, $0x38;
	[tilespmem:$0x1D000] =	vst v63  }
0x61: {  	p2 =	slt.u32 s20, $0x3;
	s20 =	sadd.s32 $0xA80, s26;
	s28 =	sand.u32 $0xFF, s22  }
0x62: {  	s22 =	sadd.s32 @!p2 $0x2, s28;
	s23 =	smul.u32 $0x1C000, s28;
	s25 =	smov.u32 s17  }
0x63: {  	[hbm4b:s20+s2] =	stream.linear.scatter [tilespmem:s19], [sflag:s29], $0x1900, $0x38;
	[tilespmem:$0x1D000] =	vst v63  }
0x64: {  	s17 =	smov.u32 s0;
	s19 =	sshrl.u32 s23, $0x2;
	_ =	swait.ge @!p2 [sflag:s22], $0x6400  }
0x65: {  	s20 =	smov.u32 s31;
	s0 =	sadd.s32 $0x8000, s19;
	[sflag:s22] =	ssyncset.done @!p2 $0x0  }
0x66: {  	s26 =	smov.u32 s16;
	[sflag:s22] =	ssyncadd.s32 @!p2 $0xFFFF9C00;
	s22 =	sadd.s32 $0xFFFFFE80, s18  }
0x67: {  	[tilespmem:s0], [sflag:$0x1] =	stream.indirect.gather [hbm4b:s3+s10], $0x80, s22, s10, $0xb8;
	[tilespmem:$0x1D000] =	vst v63  }
0x68: {  	s16 =	smov.u32 s24;
	s23 =	sadd.s32 $0xFFFFFF00, s18;
	s22 =	sadd.s32 $0x9C00, s19  }
0x69: {  	[tilespmem:s22], [sflag:$0x1] =	stream.indirect.gather [hbm4b:s3+s10], $0x80, s23, s10, $0xb8;
	[tilespmem:$0x1D000] =	vst v63  }
0x6a: {  	s29 =	sadd.s32 $0xFFFFFF80, s18;
	s23 =	sadd.s32 $0xB800, s19  }
0x6b: {  	[tilespmem:s23], [sflag:$0x1] =	stream.indirect.gather [hbm4b:s3+s10], $0x80, s29, s10, $0xb8;
	[tilespmem:$0x1D000] =	vst v63  }
0x6c: {  	s19 =	sadd.s32 $0xD400, s19  }
0x6d: {  	[tilespmem:s19], [sflag:$0x1] =	stream.indirect.gather [hbm4b:s3+s10], $0x80, s18, s10, $0xb8;
	[tilespmem:$0x1D000] =	vst v63  }
0x6e: {  	_ =	swait.ge [sflag:s11], $0x1900  }
0x6f: {  	[sflag:s11] =	ssyncset.done $0x0  }
0x70: {  	[sflag:s11] =	ssyncadd.s32 $0xFFFFE700  }
0x71: {  	_ =	swait.ge [sflag:s11], $0x1900  }
0x72: {  	[sflag:s11] =	ssyncset.done $0x0  }
0x73: {  	[sflag:s11] =	ssyncadd.s32 $0xFFFFE700  }
0x74: {  	s29 =	smul.u32 $0xAB, s20;
	_ =	swait.ge [sflag:s11], $0x1900  }
0x75: {  	[sflag:s11] =	ssyncset.done $0x0  }
.Ltmp3:
0x76: {  	s29 =	sshrl.u32 s29, $0x9;
	[sflag:s11] =	ssyncadd.s32 $0xFFFFE700;
	(pc) =	sbr.rel @p1 .LBB2_6-.Ltmp3, $4  }
0x77: {  	s29 =	sand.u32 $0x7F, s29;
	_ =	swait.ge [sflag:s11], $0x1900  }
0x78: {  	s24 =	sadd.s32 $0xE00, s24;
	[sflag:s11] =	ssyncset.done $0x0  }
0x79: {  	s30 =	smul.u32 $0x3, s29;
	s29 =	sadd.s32 $0x2, s28;
	[sflag:s11] =	ssyncadd.s32 $0xFFFFE700  }
0x7a: {  	[hbm4b:s26+s2] =	stream.linear.scatter [tilespmem:s0], [sflag:s29], $0x1900, $0x38;
	[tilespmem:$0x1D000] =	vst v63  }
.Ltmp4:
0x7b: {  	_ = 	snop;
	(pc) =	sbr.rel .LBB2_7-.Ltmp4, $1  }
0x7c: {  	_ =	sdelay $0x3  }
.LBB2_2:
0x7d: {  	s16 =	simm.s32 $0x0  }
0x7e: {  	s17 =	smul.u32 $0xAB, s16;
	_ =	sdelay $0x1  }
0x7f: {  	s17 =	sshrl.u32 s17, $0x9  }
0x80: {  	s17 =	sand.u32 $0x7F, s17  }
0x81: {  	s17 =	smul.u32 $0x3, s17  }
0x82: {  	[tilespmem:s16], [sflag:$0x5] =	stream.linear.gather [hbm4b:s4+s16], $0x8000, $0x38;
	[tilespmem:$0x1D000] =	vst v63  }
0x83: {  	_ =	swait.ge [sflag:s9], $0x8000;
	s25 =	ssub.s32 $0x0, s17  }
0x84: {  	p1 =	por $0x1, $0x1;
	[sflag:s9] =	ssyncset.done $0x0;
	s17 =	sand.u32 $0xFF, s25  }
0x85: {  	[sflag:s9] =	ssyncadd.s32 $0xFFFF8000;
	s16 =	sadd.s32 @!p1 $0x2, s17;
	s18 =	smul.u32 $0x1C000, s17  }
0x86: {  	_ =	swait.ge @!p1 [sflag:s16], $0x6400  }
0x87: {  	s19 =	sshrl.u32 s18, $0x2;
	[sflag:s16] =	ssyncset.done @!p1 $0x0  }
0x88: {  	s26 =	simm.s32 $0x0;
	s21 =	sadd.s32 $0x8000, s19;
	[sflag:s16] =	ssyncadd.s32 @!p1 $0xFFFF9C00  }
0x89: {  	[tilespmem:s21], [sflag:$0x1] =	stream.indirect.gather [hbm4b:s3+s10], $0x80, s26, s10, $0xb8;
	[tilespmem:$0x1D000] =	vst v63  }
0x8a: {  	s28 =	simm.s32 $0x80;
	s22 =	sadd.s32 $0x9C00, s19  }
0x8b: {  	[tilespmem:s22], [sflag:$0x1] =	stream.indirect.gather [hbm4b:s3+s10], $0x80, s28, s10, $0xb8;
	[tilespmem:$0x1D000] =	vst v63  }
0x8c: {  	s31 =	simm.s32 $0x100;
	s23 =	sadd.s32 $0xB800, s19  }
0x8d: {  	[tilespmem:s23], [sflag:$0x1] =	stream.indirect.gather [hbm4b:s3+s10], $0x80, s31, s10, $0xb8;
	[tilespmem:$0x1D000] =	vst v63  }
0x8e: {  	s18 =	simm.s32 $0x180;
	s19 =	sadd.s32 $0xD400, s19  }
0x8f: {  	[tilespmem:s19], [sflag:$0x1] =	stream.indirect.gather [hbm4b:s3+s10], $0x80, s18, s10, $0xb8;
	[tilespmem:$0x1D000] =	vst v63  }
0x90: {  	_ =	swait.ge [sflag:s11], $0x1900  }
0x91: {  	[sflag:s11] =	ssyncset.done $0x0  }
0x92: {  	[sflag:s11] =	ssyncadd.s32 $0xFFFFE700  }
0x93: {  	_ =	swait.ge [sflag:s11], $0x1900  }
0x94: {  	[sflag:s11] =	ssyncset.done $0x0  }
0x95: {  	s20 =	simm.s32 $0x1;
	[sflag:s11] =	ssyncadd.s32 $0xFFFFE700  }
0x96: {  	s24 =	smul.u32 $0xAB, s20;
	_ =	swait.ge [sflag:s11], $0x1900  }
0x97: {  	[sflag:s11] =	ssyncset.done $0x0  }
0x98: {  	s24 =	sshrl.u32 s24, $0x9;
	[sflag:s11] =	ssyncadd.s32 $0xFFFFE700  }
0x99: {  	s25 =	sadd.s32 $0x380, s7;
	s16 =	sadd.s32 $0xE00, s7;
	_ =	swait.ge [sflag:s11], $0x1900  }
0x9a: {  	s29 =	sadd.s32 $0x2, s17;
	s17 =	sadd.s32 $0x380, s16;
	[sflag:s11] =	ssyncset.done $0x0  }
0x9b: {  	s26 =	sand.u32 $0x7F, s24;
	s24 =	sadd.s32 $0xE00, s16;
	[sflag:s11] =	ssyncadd.s32 $0xFFFFE700  }
0x9c: {  	[hbm4b:s7+s2] =	stream.linear.scatter [tilespmem:s21], [sflag:s29], $0x1900, $0x38;
	[tilespmem:$0x1D000] =	vst v63  }
0x9d: {  	s30 =	smul.u32 $0x3, s26;
	s26 =	smov.u32 s7;
	s21 =	simm.s32 $0x2  }
.LBB2_3:
0x9e: {  	s31 =	sadd.s32 $0x380, s24  }
0x9f: {  	s18 =	sadd.s32 $0x200, s18;
	s0 =	smov.u32 s21;
	s21 =	sadd.s32 $0x1, s21  }
0xa0: {  	[hbm4b:s25+s2] =	stream.linear.scatter [tilespmem:s22], [sflag:s29], $0x1900, $0x38;
	[tilespmem:$0x1D000] =	vst v63  }
0xa1: {  	p1 =	seq.s32 s21, $0x40;
	s22 =	ssub.s32 s20, s30;
	s25 =	sadd.s32 $0x700, s26  }
0xa2: {  	[hbm4b:s25+s2] =	stream.linear.scatter [tilespmem:s23], [sflag:s29], $0x1900, $0x38;
	[tilespmem:$0x1D000] =	vst v63  }
0xa3: {  	p2 =	slt.u32 s20, $0x3;
	s20 =	sadd.s32 $0xA80, s26;
	s28 =	sand.u32 $0xFF, s22  }
0xa4: {  	s22 =	sadd.s32 @!p2 $0x2, s28;
	s23 =	smul.u32 $0x1C000, s28;
	s25 =	smov.u32 s17  }
0xa5: {  	[hbm4b:s20+s2] =	stream.linear.scatter [tilespmem:s19], [sflag:s29], $0x1900, $0x38;
	[tilespmem:$0x1D000] =	vst v63  }
0xa6: {  	s17 =	smov.u32 s31;
	s19 =	sshrl.u32 s23, $0x2;
	_ =	swait.ge @!p2 [sflag:s22], $0x6400  }
0xa7: {  	s20 =	smov.u32 s0;
	s31 =	sadd.s32 $0x8000, s19;
	[sflag:s22] =	ssyncset.done @!p2 $0x0  }
0xa8: {  	s26 =	smov.u32 s16;
	s0 =	sadd.s32 $0xFFFFFE80, s18;
	[sflag:s22] =	ssyncadd.s32 @!p2 $0xFFFF9C00  }
0xa9: {  	[tilespmem:s31], [sflag:$0x1] =	stream.indirect.gather [hbm4b:s3+s10], $0x80, s0, s10, $0xb8;
	[tilespmem:$0x1D000] =	vst v63  }
0xaa: {  	s16 =	smov.u32 s24;
	s22 =	sadd.s32 $0x9C00, s19;
	s0 =	sadd.s32 $0xFFFFFF00, s18  }
0xab: {  	[tilespmem:s22], [sflag:$0x1] =	stream.indirect.gather [hbm4b:s3+s10], $0x80, s0, s10, $0xb8;
	[tilespmem:$0x1D000] =	vst v63  }
0xac: {  	s23 =	sadd.s32 $0xB800, s19;
	s0 =	sadd.s32 $0xFFFFFF80, s18  }
0xad: {  	[tilespmem:s23], [sflag:$0x1] =	stream.indirect.gather [hbm4b:s3+s10], $0x80, s0, s10, $0xb8;
	[tilespmem:$0x1D000] =	vst v63  }
0xae: {  	s19 =	sadd.s32 $0xD400, s19  }
0xaf: {  	[tilespmem:s19], [sflag:$0x1] =	stream.indirect.gather [hbm4b:s3+s10], $0x80, s18, s10, $0xb8;
	[tilespmem:$0x1D000] =	vst v63  }
0xb0: {  	_ =	swait.ge [sflag:s11], $0x1900  }
0xb1: {  	[sflag:s11] =	ssyncset.done $0x0  }
0xb2: {  	[sflag:s11] =	ssyncadd.s32 $0xFFFFE700  }
0xb3: {  	_ =	swait.ge [sflag:s11], $0x1900  }
0xb4: {  	[sflag:s11] =	ssyncset.done $0x0  }
0xb5: {  	[sflag:s11] =	ssyncadd.s32 $0xFFFFE700  }
0xb6: {  	s0 =	smul.u32 $0xAB, s20;
	_ =	swait.ge [sflag:s11], $0x1900  }
0xb7: {  	[sflag:s11] =	ssyncset.done $0x0  }
.Ltmp5:
0xb8: {  	s0 =	sshrl.u32 s0, $0x9;
	[sflag:s11] =	ssyncadd.s32 $0xFFFFE700;
	(pc) =	sbr.rel @!p1 .LBB2_3-.Ltmp5, $4  }
0xb9: {  	s0 =	sand.u32 $0x7F, s0;
	_ =	swait.ge [sflag:s11], $0x1900  }
0xba: {  	s24 =	sadd.s32 $0xE00, s24;
	[sflag:s11] =	ssyncset.done $0x0  }
0xbb: {  	s29 =	sadd.s32 $0x2, s28;
	s30 =	smul.u32 $0x3, s0;
	[sflag:s11] =	ssyncadd.s32 $0xFFFFE700  }
0xbc: {  	[hbm4b:s26+s2] =	stream.linear.scatter [tilespmem:s31], [sflag:s29], $0x1900, $0x38;
	[tilespmem:$0x1D000] =	vst v63  }
0xbd: {  	[hbm4b:s25+s2] =	stream.linear.scatter [tilespmem:s22], [sflag:s29], $0x1900, $0x38;
	[tilespmem:$0x1D000] =	vst v63  }
0xbe: {  	s0 =	ssub.s32 s20, s30  }
0xbf: {  	s21 =	sadd.s32 $0x700, s26;
	p1 =	slt.u32 s20, $0x3;
	s0 =	sand.u32 $0xFF, s0  }
0xc0: {  	[hbm4b:s21+s2] =	stream.linear.scatter [tilespmem:s23], [sflag:s29], $0x1900, $0x38;
	[tilespmem:$0x1D000] =	vst v63  }
0xc1: {  	s26 =	sadd.s32 $0xA80, s26;
	s21 =	sadd.s32 @!p1 $0x2, s0;
	s28 =	smul.u32 $0x1C000, s0  }
0xc2: {  	[hbm4b:s26+s2] =	stream.linear.scatter [tilespmem:s19], [sflag:s29], $0x1900, $0x38;
	[tilespmem:$0x1D000] =	vst v63  }
0xc3: {  	_ =	swait.ge @!p1 [sflag:s21], $0x6400  }
0xc4: {  	s18 =	sadd.s32 $0x200, s18;
	s30 =	sshrl.u32 s28, $0x2;
	[sflag:s21] =	ssyncset.done @!p1 $0x0  }
0xc5: {  	s24 =	sadd.s32 $0xFFFFFE80, s18;
	s31 =	sadd.s32 $0x8000, s30;
	[sflag:s21] =	ssyncadd.s32 @!p1 $0xFFFF9C00  }
0xc6: {  	[tilespmem:s31], [sflag:$0x1] =	stream.indirect.gather [hbm4b:s3+s10], $0x80, s24, s10, $0xb8;
	[tilespmem:$0x1D000] =	vst v63  }
0xc7: {  	s26 =	sadd.s32 $0xFFFFFF00, s18;
	s25 =	sadd.s32 $0x9C00, s30  }
0xc8: {  	[tilespmem:s25], [sflag:$0x1] =	stream.indirect.gather [hbm4b:s3+s10], $0x80, s26, s10, $0xb8;
	[tilespmem:$0x1D000] =	vst v63  }
0xc9: {  	s29 =	sadd.s32 $0xFFFFFF80, s18;
	s28 =	sadd.s32 $0xB800, s30  }
0xca: {  	[tilespmem:s28], [sflag:$0x1] =	stream.indirect.gather [hbm4b:s3+s10], $0x80, s29, s10, $0xb8;
	[tilespmem:$0x1D000] =	vst v63  }
0xcb: {  	s19 =	sadd.s32 $0xD400, s30  }
0xcc: {  	[tilespmem:s19], [sflag:$0x1] =	stream.indirect.gather [hbm4b:s3+s10], $0x80, s18, s10, $0xb8;
	[tilespmem:$0x1D000] =	vst v63  }
0xcd: {  	_ =	swait.ge [sflag:s11], $0x1900  }
0xce: {  	[sflag:s11] =	ssyncset.done $0x0  }
0xcf: {  	[sflag:s11] =	ssyncadd.s32 $0xFFFFE700  }
0xd0: {  	_ =	swait.ge [sflag:s11], $0x1900  }
0xd1: {  	[sflag:s11] =	ssyncset.done $0x0  }
0xd2: {  	[sflag:s11] =	ssyncadd.s32 $0xFFFFE700  }
0xd3: {  	_ =	swait.ge [sflag:s11], $0x1900  }
0xd4: {  	[sflag:s11] =	ssyncset.done $0x0  }
0xd5: {  	[sflag:s11] =	ssyncadd.s32 $0xFFFFE700  }
0xd6: {  	_ =	swait.ge [sflag:s11], $0x1900  }
0xd7: {  	[sflag:s11] =	ssyncset.done $0x0  }
0xd8: {  	s0 =	sadd.s32 $0x2, s0;
	[sflag:s11] =	ssyncadd.s32 $0xFFFFE700  }
0xd9: {  	[hbm4b:s16+s2] =	stream.linear.scatter [tilespmem:s31], [sflag:s0], $0x1900, $0x38;
	[tilespmem:$0x1D000] =	vst v63  }
0xda: {  	_ = 	snop  }
0xdb: {  	[hbm4b:s17+s2] =	stream.linear.scatter [tilespmem:s25], [sflag:s0], $0x1900, $0x38;
	[tilespmem:$0x1D000] =	vst v63  }
.Ltmp6:
0xdc: {  	_ = 	snop;
	(pc) =	sbr.rel .LBB2_8-.Ltmp6, $4  }
0xdd: {  	s30 =	sadd.s32 $0x700, s16  }
0xde: {  	[hbm4b:s30+s2] =	stream.linear.scatter [tilespmem:s28], [sflag:s0], $0x1900, $0x38;
	[tilespmem:$0x1D000] =	vst v63  }
0xdf: {  	s31 =	sadd.s32 $0xA80, s16  }
0xe0: {  	[hbm4b:s31+s2] =	stream.linear.scatter [tilespmem:s19], [sflag:s0], $0x1900, $0x38;
	[tilespmem:$0x1D000] =	vst v63  }
.LBB2_9:
0xe1: {  	_ =	sfence.sel $0x180000  }
0xe2: {  	[bflag:$0x0] =	sbarrier.arrive $0xFFFF  }
0xe3: {  	_ =	strace $0x90000047  }
0xe4: {  	[bflag:$0x2] =	sbarrier.arrive $0xFFFF  }
0xe5: {  	p0 =	sne.s32 s1, $0x0;
	s0 =	rddreg [dreg:$0x3]  }
0xe6: {  	s0 =	sadd.s32 @!p0 $0x100000, s0  }
0xe7: {  	[sflag:s0] =	ssyncadd.tile.s32 @!p0 $0x1;
	_ =	shalt  }
.Lfunc_end2:
_tile_overlayer_lowered:
.L_overlay_start_2:
0xe8: {  	(tag) =	ssettag $0x2  }
0xe9: {  	s0 =	rddreg [dreg:$0x0];
	s2 =	stileid.u32  }
0xea: {  	s1 =	rddreg [dreg:$0x1];
	p0 =	sne.s32 s2, $0x0  }
0xeb: {  	s3 =	rddreg [dreg:$0x2];
	[bflag:$0x3] =	sbarrier.arrive $0xFFFF;
	s2 =	simm.s32 @!p0 $0x1C05  }
0xec: {  	[timem:s3], [sflag:s2] =	dma.local @!p0 [hbm:s0], s1  }
0xed: {  	s0 =	simm.s32 @!p0 $0x5  }
0xee: {  	_ =	swait.ge @!p0 [sflag:s0], s1  }
0xef: {  	s1 =	ssub.s32 @!p0 $0x0, s1;
	[sflag:s0] =	ssyncset.done @!p0 $0x0  }
0xf0: {  	[sflag:s0] =	ssyncadd.s32 @!p0 s1  }
0xf1: {  	[bflag:$0x3] =	sbarrier.arrive $0xFFFF  }
0xf2: {  	_ =	shalt  }

</sc_bundles>
